<compile_context>
chip_gen: v7x
topology: tpu7x:2x2x1
jax: 0.10.2.dev20260603
libtpu: 0.0.44.dev20260713+nightly
codegen_flags: <defaults>
</compile_context>

<pallas_src>
import functools

import jax
import jax.numpy as jnp
from jax import lax
from jax.experimental import pallas as pl
from jax.experimental.pallas import tpu as pltpu
from jax.experimental.pallas import tpu_sc as plsc

_VOCAB = 1_000_000
_EMBED = 32
_BATCH = 16384
_SEQ = 200

_NC, _NS, _L = 2, 16, 16
_NW = _NC * _NS
_ROWS_PER_W = _BATCH // _NW
_COLS = 64
_NCHUNK = _ROWS_PER_W // _COLS

_TV_BLKN = 32768


def _tv_body(t_ref, w_ref, b_ref, o_ref):
    t = t_ref[...]
    w = w_ref[...]
    s = jnp.sum(t * w, axis=0)
    o_ref[...] = s + b_ref[0]


def _compute_tv(table, W, b):
    grid = pl.cdiv(_VOCAB, _TV_BLKN)
    return pl.pallas_call(
        _tv_body,
        grid=(grid,),
        in_specs=[
            pl.BlockSpec((_EMBED, _TV_BLKN), lambda i: (0, i)),
            pl.BlockSpec((_EMBED, 1), lambda i: (0, 0)),
            pl.BlockSpec(memory_space=pltpu.SMEM),
        ],
        out_specs=pl.BlockSpec((_TV_BLKN,), lambda i: (i,)),
        out_shape=jax.ShapeDtypeStruct((_VOCAB,), jnp.float32),
    )(table.T, W.T * (1.0 / _SEQ), b * (1.0 / _SEQ))


_NFULL = _SEQ // _L
_TAIL = _SEQ - _NFULL * _L


def _sc_body(tv_hbm, x_hbm, out_hbm,
             idx_v, vals0, vals1, sums_v,
             ssem, gsem0, gsem1, hsem0, hsem1):
    wid = lax.axis_index("s") * _NC + lax.axis_index("c")
    row0 = wid * _ROWS_PER_W
    lanes = lax.iota(jnp.int32, _L)
    tail_mask = lanes < _TAIL
    last_lane = lanes == (_L - 1)
    vals = (vals0, vals1)
    gsem = (gsem0, gsem1)
    hsem = (hsem0, hsem1)

    half = _COLS * _SEQ // 2

    def gather(c):
        base = c * _COLS * _SEQ
        d1 = pltpu.async_copy(
            tv_hbm.at[idx_v.at[pl.ds(base, half)]],
            vals[c % 2].at[pl.ds(0, half)], gsem[c % 2])
        d2 = pltpu.async_copy(
            tv_hbm.at[idx_v.at[pl.ds(base + half, half)]],
            vals[c % 2].at[pl.ds(half, half)], hsem[c % 2])
        return (d1, d2)

    def reduce(c):
        v = vals[c % 2]

        def row_body(r, carry2):
            base = r * _SEQ
            acc = v[pl.ds(base, _L)]
            for k in range(1, _NFULL):
                acc = acc + v[pl.ds(base + k * _L, _L)]
            tail = v[pl.ds(base + _NFULL * _L, _L)]
            acc = acc + jnp.where(tail_mask, tail, 0.0)
            csum = plsc.cumsum(acc)
            plsc.store_compressed(
                sums_v.at[pl.ds(c * _COLS + r, _L)], csum, mask=last_lane)
            return carry2

        lax.fori_loop(0, _COLS, row_body, 0)

    pltpu.async_copy(
        x_hbm.at[pl.ds(row0 * _SEQ, _ROWS_PER_W * _SEQ)], idx_v, ssem).wait()
    g_prev = gather(0)
    for c in range(1, _NCHUNK):
        g_cur = gather(c)
        for d in g_prev:
            d.wait()
        reduce(c - 1)
        g_prev = g_cur
    for d in g_prev:
        d.wait()
    reduce(_NCHUNK - 1)

    pltpu.sync_copy(sums_v.at[pl.ds(0, _ROWS_PER_W)],
                    out_hbm.at[pl.ds(row0, _ROWS_PER_W)])


_gather_sum = functools.partial(
    pl.kernel,
    out_type=jax.ShapeDtypeStruct((_BATCH,), jnp.float32),
    mesh=plsc.VectorSubcoreMesh(
        core_axis_name="c", subcore_axis_name="s",
        num_cores=_NC, num_subcores=_NS),
    scratch_types=[
        pltpu.VMEM((_ROWS_PER_W * _SEQ,), jnp.int32),
        pltpu.VMEM((_COLS * _SEQ + _L,), jnp.float32),
        pltpu.VMEM((_COLS * _SEQ + _L,), jnp.float32),
        pltpu.VMEM((_ROWS_PER_W + _L,), jnp.float32),
        pltpu.SemaphoreType.DMA,
        pltpu.SemaphoreType.DMA,
        pltpu.SemaphoreType.DMA,
        pltpu.SemaphoreType.DMA,
        pltpu.SemaphoreType.DMA,
    ],
    compiler_params=pltpu.CompilerParams(needs_layout_passes=False),
)(_sc_body)


def kernel(x, table, W, b):
    tv = _compute_tv(table, W, b)
    out = _gather_sum(tv, x.reshape(-1))
    return out.reshape(_BATCH, 1)

# --- scband reference (transcript-rebuilt; emitter-appended) ---
"""Pipeline reference for scband-dasher-34394098106807 (READ-ONLY COPY).

The authoritative reference and input builder live on the scoring server;
editing this copy changes nothing except your own understanding.
"""

import jax, jax.numpy as jnp
import numpy as np

VOCAB = 1000000
EMBED = 32
BATCH = 16384
SEQ = 200

def setup_inputs(seed: int = 0) -> dict:
    key = jax.random.key(seed)
    k1, k2, k3, k4 = jax.random.split(key, 4)
    x = jax.random.randint(k1, (BATCH, SEQ), 0, VOCAB, dtype=jnp.int64 if jax.config.jax_enable_x64 else jnp.int32).astype(jnp.int32)
    table = jax.random.normal(k2, (VOCAB, EMBED), dtype=jnp.float32)
    W = jax.random.normal(k3, (1, EMBED), dtype=jnp.float32) * (1.0 / np.sqrt(EMBED))
    b = jax.random.normal(k4, (1,), dtype=jnp.float32) * 0.01
    return {"x": x, "table": table, "W": W, "b": b}

def reference(x, table, W, b):
    # nn.Embedding lookup: gather rows of table
    e = jnp.take(table, x, axis=0)              # [B, S, D]
    # dropout is identity in eval mode
    # permute + adaptive_avg_pool1d(1) == mean over sequence axis
    pooled = jnp.mean(e, axis=1)                # [B, D]
    out = pooled @ W.T + b                      # [B, 1]
    return out

if __name__ == "__main__":
    import jax
    _d = setup_inputs()
    print(jax.jit(kernel)(*tuple(_d.values())))

</pallas_src>

<mosaic_0001>
#map = affine_map<(d0, d1) -> (0)>
module attributes {stable_mosaic.version = 14 : i64} {
  func.func @_sc_body(%arg0: i32, %arg1: i32, %arg2: memref<1000000xf32, #tpu.memory_space<hbm>>, %arg3: memref<3276800xi32, #tpu.memory_space<hbm>>, %arg4: memref<16384xf32, #tpu.memory_space<hbm>>, %arg5: memref<102400xi32, #tpu.memory_space<vmem>>, %arg6: memref<12816xf32, #tpu.memory_space<vmem>>, %arg7: memref<12816xf32, #tpu.memory_space<vmem>>, %arg8: memref<528xf32, #tpu.memory_space<vmem>>, %arg9: memref<!tpu.dma_semaphore, #tpu.memory_space<semaphore_mem>>, %arg10: memref<!tpu.dma_semaphore, #tpu.memory_space<semaphore_mem>>, %arg11: memref<!tpu.dma_semaphore, #tpu.memory_space<semaphore_mem>>, %arg12: memref<!tpu.dma_semaphore, #tpu.memory_space<semaphore_mem>>, %arg13: memref<!tpu.dma_semaphore, #tpu.memory_space<semaphore_mem>>) attributes {dimension_semantics = [#tpu.dimension_semantics<core_parallel>, #tpu.dimension_semantics<subcore_parallel>], iteration_bounds = array<i64: 2, 16>, scalar_prefetch = 0 : i64, scratch_operands = 9 : i64, tpu.core_type = #tpu.core_type<sc_vector_subcore>, window_params = [{transform_indices = #map}, {transform_indices = #map}, {transform_indices = #map}]} {
    %mul3A = arith.constant 2 : i32
    %mul3A_0 = arith.muli %arg1, %mul3A : i32
    %add3A = arith.addi %mul3A_0, %arg0 : i32
    %mul3A_1 = arith.constant 512 : i32
    %mul3A_2 = arith.muli %add3A, %mul3A_1 : i32
    %iota3A = tpu.iota {dimensions = array<i32: 0>} : vector<16xi32>
    %lt3A = arith.constant 8 : i32
    %lt3A_3 = vector.broadcast %lt3A : i32 to vector<16xi32>
    %lt3A_4 = arith.cmpi slt, %iota3A, %lt3A_3 : vector<16xi32>
    %eq3A = arith.constant 15 : i32
    %eq3A_5 = vector.broadcast %eq3A : i32 to vector<16xi32>
    %eq3A_6 = arith.cmpi eq, %iota3A, %eq3A_5 : vector<16xi32>
    %mul3A_7 = arith.constant 200 : i32
    %mul3A_8 = arith.muli %mul3A_2, %mul3A_7 : i32
    %dma_start3A = tpu.memref_slice %arg3[%mul3A_8] : memref<3276800xi32, #tpu.memory_space<hbm>> -> memref<102400xi32, #tpu.memory_space<hbm>>
    %dma_start3A_9 = tpu.memref_slice %arg3[%mul3A_8] : memref<3276800xi32, #tpu.memory_space<hbm>> -> memref<102400xi32, #tpu.memory_space<hbm>>
    tpu.enqueue_dma source(%dma_start3A_9 : memref<102400xi32, #tpu.memory_space<hbm>>) target(%arg5 : memref<102400xi32, #tpu.memory_space<vmem>>) target_semaphore(%arg9 : memref<!tpu.dma_semaphore, #tpu.memory_space<semaphore_mem>>)
    %dma_wait3A = tpu.memref_slice %arg3[%mul3A_8] : memref<3276800xi32, #tpu.memory_space<hbm>> -> memref<102400xi32, #tpu.memory_space<hbm>>
    %dma_wait3A_10 = tpu.memref_slice %arg3[%mul3A_8] : memref<3276800xi32, #tpu.memory_space<hbm>> -> memref<102400xi32, #tpu.memory_space<hbm>>
    tpu.wait_dma2 semaphore(%arg9 : memref<!tpu.dma_semaphore, #tpu.memory_space<semaphore_mem>>) src(%dma_wait3A_10 : memref<102400xi32, #tpu.memory_space<hbm>>) dst(%arg5 : memref<102400xi32, #tpu.memory_space<vmem>>)
    %dma_start3A_11 = arith.constant 0 : i32
    %dma_start3A_12 = tpu.memref_slice %arg6[%dma_start3A_11] : memref<12816xf32, #tpu.memory_space<vmem>> -> memref<6400xf32, #tpu.memory_space<vmem>>
    %dma_start3A_13 = arith.constant 0 : i32
    %dma_start3A_14 = tpu.memref_slice %arg5[%dma_start3A_13] : memref<102400xi32, #tpu.memory_space<vmem>> -> memref<6400xi32, #tpu.memory_space<vmem>>
    %dma_start3A_15 = arith.constant 0 : i32
    %dma_start3A_16 = tpu.memref_slice %arg2[%dma_start3A_15] : memref<1000000xf32, #tpu.memory_space<hbm>> -> memref<1000000xf32, #tpu.memory_space<hbm>>
    tpu.enqueue_indirect_dma source(%dma_start3A_16 : memref<1000000xf32, #tpu.memory_space<hbm>>) target(%dma_start3A_12 : memref<6400xf32, #tpu.memory_space<vmem>>) offsets(%dma_start3A_14 : memref<6400xi32, #tpu.memory_space<vmem>>) semaphore(%arg10 : memref<!tpu.dma_semaphore, #tpu.memory_space<semaphore_mem>>)
    %dma_start3A_17 = arith.constant 6400 : i32
    %dma_start3A_18 = tpu.memref_slice %arg6[%dma_start3A_17] : memref<12816xf32, #tpu.memory_space<vmem>> -> memref<6400xf32, #tpu.memory_space<vmem>>
    %dma_start3A_19 = arith.constant 6400 : i32
    %dma_start3A_20 = tpu.memref_slice %arg5[%dma_start3A_19] : memref<102400xi32, #tpu.memory_space<vmem>> -> memref<6400xi32, #tpu.memory_space<vmem>>
    %dma_start3A_21 = arith.constant 0 : i32
    %dma_start3A_22 = tpu.memref_slice %arg2[%dma_start3A_21] : memref<1000000xf32, #tpu.memory_space<hbm>> -> memref<1000000xf32, #tpu.memory_space<hbm>>
    tpu.enqueue_indirect_dma source(%dma_start3A_22 : memref<1000000xf32, #tpu.memory_space<hbm>>) target(%dma_start3A_18 : memref<6400xf32, #tpu.memory_space<vmem>>) offsets(%dma_start3A_20 : memref<6400xi32, #tpu.memory_space<vmem>>) semaphore(%arg12 : memref<!tpu.dma_semaphore, #tpu.memory_space<semaphore_mem>>)
    %dma_start3A_23 = arith.constant 0 : i32
    %dma_start3A_24 = tpu.memref_slice %arg7[%dma_start3A_23] : memref<12816xf32, #tpu.memory_space<vmem>> -> memref<6400xf32, #tpu.memory_space<vmem>>
    %dma_start3A_25 = arith.constant 12800 : i32
    %dma_start3A_26 = tpu.memref_slice %arg5[%dma_start3A_25] : memref<102400xi32, #tpu.memory_space<vmem>> -> memref<6400xi32, #tpu.memory_space<vmem>>
    %dma_start3A_27 = arith.constant 0 : i32
    %dma_start3A_28 = tpu.memref_slice %arg2[%dma_start3A_27] : memref<1000000xf32, #tpu.memory_space<hbm>> -> memref<1000000xf32, #tpu.memory_space<hbm>>
    tpu.enqueue_indirect_dma source(%dma_start3A_28 : memref<1000000xf32, #tpu.memory_space<hbm>>) target(%dma_start3A_24 : memref<6400xf32, #tpu.memory_space<vmem>>) offsets(%dma_start3A_26 : memref<6400xi32, #tpu.memory_space<vmem>>) semaphore(%arg11 : memref<!tpu.dma_semaphore, #tpu.memory_space<semaphore_mem>>)
    %dma_start3A_29 = arith.constant 6400 : i32
    %dma_start3A_30 = tpu.memref_slice %arg7[%dma_start3A_29] : memref<12816xf32, #tpu.memory_space<vmem>> -> memref<6400xf32, #tpu.memory_space<vmem>>
    %dma_start3A_31 = arith.constant 19200 : i32
    %dma_start3A_32 = tpu.memref_slice %arg5[%dma_start3A_31] : memref<102400xi32, #tpu.memory_space<vmem>> -> memref<6400xi32, #tpu.memory_space<vmem>>
    %dma_start3A_33 = arith.constant 0 : i32
    %dma_start3A_34 = tpu.memref_slice %arg2[%dma_start3A_33] : memref<1000000xf32, #tpu.memory_space<hbm>> -> memref<1000000xf32, #tpu.memory_space<hbm>>
    tpu.enqueue_indirect_dma source(%dma_start3A_34 : memref<1000000xf32, #tpu.memory_space<hbm>>) target(%dma_start3A_30 : memref<6400xf32, #tpu.memory_space<vmem>>) offsets(%dma_start3A_32 : memref<6400xi32, #tpu.memory_space<vmem>>) semaphore(%arg13 : memref<!tpu.dma_semaphore, #tpu.memory_space<semaphore_mem>>)
    %dma_wait3A_35 = arith.constant 0 : i32
    %dma_wait3A_36 = tpu.memref_slice %arg6[%dma_wait3A_35] : memref<12816xf32, #tpu.memory_space<vmem>> -> memref<6400xf32, #tpu.memory_space<vmem>>
    %dma_wait3A_37 = arith.constant 0 : i32
    %dma_wait3A_38 = tpu.memref_slice %arg5[%dma_wait3A_37] : memref<102400xi32, #tpu.memory_space<vmem>> -> memref<6400xi32, #tpu.memory_space<vmem>>
    %dma_wait3A_39 = arith.constant 0 : i32
    %dma_wait3A_40 = tpu.memref_slice %arg2[%dma_wait3A_39] : memref<1000000xf32, #tpu.memory_space<hbm>> -> memref<1000000xf32, #tpu.memory_space<hbm>>
    tpu.wait_indirect_dma semaphore(%arg10 : memref<!tpu.dma_semaphore, #tpu.memory_space<semaphore_mem>>) src(%dma_wait3A_40 : memref<1000000xf32, #tpu.memory_space<hbm>>) dst(%dma_wait3A_36 : memref<6400xf32, #tpu.memory_space<vmem>>)
    %dma_wait3A_41 = arith.constant 6400 : i32
    %dma_wait3A_42 = tpu.memref_slice %arg6[%dma_wait3A_41] : memref<12816xf32, #tpu.memory_space<vmem>> -> memref<6400xf32, #tpu.memory_space<vmem>>
    %dma_wait3A_43 = arith.constant 6400 : i32
    %dma_wait3A_44 = tpu.memref_slice %arg5[%dma_wait3A_43] : memref<102400xi32, #tpu.memory_space<vmem>> -> memref<6400xi32, #tpu.memory_space<vmem>>
    %dma_wait3A_45 = arith.constant 0 : i32
    %dma_wait3A_46 = tpu.memref_slice %arg2[%dma_wait3A_45] : memref<1000000xf32, #tpu.memory_space<hbm>> -> memref<1000000xf32, #tpu.memory_space<hbm>>
    tpu.wait_indirect_dma semaphore(%arg12 : memref<!tpu.dma_semaphore, #tpu.memory_space<semaphore_mem>>) src(%dma_wait3A_46 : memref<1000000xf32, #tpu.memory_space<hbm>>) dst(%dma_wait3A_42 : memref<6400xf32, #tpu.memory_space<vmem>>)
    %scan3A = arith.constant 0 : i32
    %scan3A_47 = arith.constant 0 : i32
    %scan3A_48 = arith.constant 64 : i32
    %scan3A_49 = arith.addi %scan3A_47, %scan3A_48 : i32
    %scan3A_50 = arith.constant 1 : i32
    scf.for %scan3A_250 = %scan3A_47 to %scan3A_49 step %scan3A_50  : i32 {
      %mul3A_251 = arith.constant 200 : i32
      %mul3A_252 = arith.muli %scan3A_250, %mul3A_251 : i32
      %get3A = arith.index_cast %mul3A_252 : i32 to index
      %get3A_253 = tpu.vector_load %arg6[%get3A] {strides = array<i32>} : memref<12816xf32, #tpu.memory_space<vmem>>, vector<16xf32>,
      %add3A_254 = arith.constant 16 : i32
      %add3A_255 = arith.addi %mul3A_252, %add3A_254 : i32
      %get3A_256 = arith.index_cast %add3A_255 : i32 to index
      %get3A_257 = tpu.vector_load %arg6[%get3A_256] {strides = array<i32>} : memref<12816xf32, #tpu.memory_space<vmem>>, vector<16xf32>,
      %add3A_258 = arith.addf %get3A_253, %get3A_257 : vector<16xf32>
      %add3A_259 = arith.constant 32 : i32
      %add3A_260 = arith.addi %mul3A_252, %add3A_259 : i32
      %get3A_261 = arith.index_cast %add3A_260 : i32 to index
      %get3A_262 = tpu.vector_load %arg6[%get3A_261] {strides = array<i32>} : memref<12816xf32, #tpu.memory_space<vmem>>, vector<16xf32>,
      %add3A_263 = arith.addf %add3A_258, %get3A_262 : vector<16xf32>
      %add3A_264 = arith.constant 48 : i32
      %add3A_265 = arith.addi %mul3A_252, %add3A_264 : i32
      %get3A_266 = arith.index_cast %add3A_265 : i32 to index
      %get3A_267 = tpu.vector_load %arg6[%get3A_266] {strides = array<i32>} : memref<12816xf32, #tpu.memory_space<vmem>>, vector<16xf32>,
      %add3A_268 = arith.addf %add3A_263, %get3A_267 : vector<16xf32>
      %add3A_269 = arith.constant 64 : i32
      %add3A_270 = arith.addi %mul3A_252, %add3A_269 : i32
      %get3A_271 = arith.index_cast %add3A_270 : i32 to index
      %get3A_272 = tpu.vector_load %arg6[%get3A_271] {strides = array<i32>} : memref<12816xf32, #tpu.memory_space<vmem>>, vector<16xf32>,
      %add3A_273 = arith.addf %add3A_268, %get3A_272 : vector<16xf32>
      %add3A_274 = arith.constant 80 : i32
      %add3A_275 = arith.addi %mul3A_252, %add3A_274 : i32
      %get3A_276 = arith.index_cast %add3A_275 : i32 to index
      %get3A_277 = tpu.vector_load %arg6[%get3A_276] {strides = array<i32>} : memref<12816xf32, #tpu.memory_space<vmem>>, vector<16xf32>,
      %add3A_278 = arith.addf %add3A_273, %get3A_277 : vector<16xf32>
      %add3A_279 = arith.constant 96 : i32
      %add3A_280 = arith.addi %mul3A_252, %add3A_279 : i32
      %get3A_281 = arith.index_cast %add3A_280 : i32 to index
      %get3A_282 = tpu.vector_load %arg6[%get3A_281] {strides = array<i32>} : memref<12816xf32, #tpu.memory_space<vmem>>, vector<16xf32>,
      %add3A_283 = arith.addf %add3A_278, %get3A_282 : vector<16xf32>
      %add3A_284 = arith.constant 112 : i32
      %add3A_285 = arith.addi %mul3A_252, %add3A_284 : i32
      %get3A_286 = arith.index_cast %add3A_285 : i32 to index
      %get3A_287 = tpu.vector_load %arg6[%get3A_286] {strides = array<i32>} : memref<12816xf32, #tpu.memory_space<vmem>>, vector<16xf32>,
      %add3A_288 = arith.addf %add3A_283, %get3A_287 : vector<16xf32>
      %add3A_289 = arith.constant 128 : i32
      %add3A_290 = arith.addi %mul3A_252, %add3A_289 : i32
      %get3A_291 = arith.index_cast %add3A_290 : i32 to index
      %get3A_292 = tpu.vector_load %arg6[%get3A_291] {strides = array<i32>} : memref<12816xf32, #tpu.memory_space<vmem>>, vector<16xf32>,
      %add3A_293 = arith.addf %add3A_288, %get3A_292 : vector<16xf32>
      %add3A_294 = arith.constant 144 : i32
      %add3A_295 = arith.addi %mul3A_252, %add3A_294 : i32
      %get3A_296 = arith.index_cast %add3A_295 : i32 to index
      %get3A_297 = tpu.vector_load %arg6[%get3A_296] {strides = array<i32>} : memref<12816xf32, #tpu.memory_space<vmem>>, vector<16xf32>,
      %add3A_298 = arith.addf %add3A_293, %get3A_297 : vector<16xf32>
      %add3A_299 = arith.constant 160 : i32
      %add3A_300 = arith.addi %mul3A_252, %add3A_299 : i32
      %get3A_301 = arith.index_cast %add3A_300 : i32 to index
      %get3A_302 = tpu.vector_load %arg6[%get3A_301] {strides = array<i32>} : memref<12816xf32, #tpu.memory_space<vmem>>, vector<16xf32>,
      %add3A_303 = arith.addf %add3A_298, %get3A_302 : vector<16xf32>
      %add3A_304 = arith.constant 176 : i32
      %add3A_305 = arith.addi %mul3A_252, %add3A_304 : i32
      %get3A_306 = arith.index_cast %add3A_305 : i32 to index
      %get3A_307 = tpu.vector_load %arg6[%get3A_306] {strides = array<i32>} : memref<12816xf32, #tpu.memory_space<vmem>>, vector<16xf32>,
      %add3A_308 = arith.addf %add3A_303, %get3A_307 : vector<16xf32>
      %add3A_309 = arith.constant 192 : i32
      %add3A_310 = arith.addi %mul3A_252, %add3A_309 : i32
      %get3A_311 = arith.index_cast %add3A_310 : i32 to index
      %get3A_312 = tpu.vector_load %arg6[%get3A_311] {strides = array<i32>} : memref<12816xf32, #tpu.memory_space<vmem>>, vector<16xf32>,
      %jit3A = arith.constant 0.000000e+00 : f32
      %broadcast_in_dim3A = vector.broadcast %jit3A : f32 to vector<16xf32>
      %select_n3A = arith.select %lt3A_4, %get3A_312, %broadcast_in_dim3A : vector<16xi1>, vector<16xf32>
      %add3A_313 = arith.addf %add3A_308, %select_n3A : vector<16xf32>
      %broadcast_in_dim3A_314 = arith.constant true
      %broadcast_in_dim3A_315 = vector.broadcast %broadcast_in_dim3A_314 : i1 to vector<16xi1>
      %masked_cumsum3A = tpu.scan <sum>, %add3A_313 masked %broadcast_in_dim3A_315 : vector<16xf32>, vector<16xi1> -> vector<16xf32>
      %add3A_316 = arith.constant 0 : i32
      %add3A_317 = arith.addi %add3A_316, %scan3A_250 : i32
      %swap3A = arith.index_cast %add3A_317 : i32 to index
      %swap3A_318 = tpu.vector_load %arg8[%swap3A] masked %eq3A_6 {strides = array<i32>} : memref<528xf32, #tpu.memory_space<vmem>>, vector<16xf32>, vector<16xi1>
      tpu.vector_store %arg8[%swap3A], %masked_cumsum3A masked %eq3A_6 {strides = array<i32>} : memref<528xf32, #tpu.memory_space<vmem>>, vector<16xf32>, vector<16xi1>
    }
    %scan3A_51 = arith.constant 64 : i32
    %dma_start3A_52 = arith.constant 0 : i32
    %dma_start3A_53 = tpu.memref_slice %arg6[%dma_start3A_52] : memref<12816xf32, #tpu.memory_space<vmem>> -> memref<6400xf32, #tpu.memory_space<vmem>>
    %dma_start3A_54 = arith.constant 25600 : i32
    %dma_start3A_55 = tpu.memref_slice %arg5[%dma_start3A_54] : memref<102400xi32, #tpu.memory_space<vmem>> -> memref<6400xi32, #tpu.memory_space<vmem>>
    %dma_start3A_56 = arith.constant 0 : i32
    %dma_start3A_57 = tpu.memref_slice %arg2[%dma_start3A_56] : memref<1000000xf32, #tpu.memory_space<hbm>> -> memref<1000000xf32, #tpu.memory_space<hbm>>
    tpu.enqueue_indirect_dma source(%dma_start3A_57 : memref<1000000xf32, #tpu.memory_space<hbm>>) target(%dma_start3A_53 : memref<6400xf32, #tpu.memory_space<vmem>>) offsets(%dma_start3A_55 : memref<6400xi32, #tpu.memory_space<vmem>>) semaphore(%arg10 : memref<!tpu.dma_semaphore, #tpu.memory_space<semaphore_mem>>)
    %dma_start3A_58 = arith.constant 6400 : i32
    %dma_start3A_59 = tpu.memref_slice %arg6[%dma_start3A_58] : memref<12816xf32, #tpu.memory_space<vmem>> -> memref<6400xf32, #tpu.memory_space<vmem>>
    %dma_start3A_60 = arith.constant 32000 : i32
    %dma_start3A_61 = tpu.memref_slice %arg5[%dma_start3A_60] : memref<102400xi32, #tpu.memory_space<vmem>> -> memref<6400xi32, #tpu.memory_space<vmem>>
    %dma_start3A_62 = arith.constant 0 : i32
    %dma_start3A_63 = tpu.memref_slice %arg2[%dma_start3A_62] : memref<1000000xf32, #tpu.memory_space<hbm>> -> memref<1000000xf32, #tpu.memory_space<hbm>>
    tpu.enqueue_indirect_dma source(%dma_start3A_63 : memref<1000000xf32, #tpu.memory_space<hbm>>) target(%dma_start3A_59 : memref<6400xf32, #tpu.memory_space<vmem>>) offsets(%dma_start3A_61 : memref<6400xi32, #tpu.memory_space<vmem>>) semaphore(%arg12 : memref<!tpu.dma_semaphore, #tpu.memory_space<semaphore_mem>>)
    %dma_wait3A_64 = arith.constant 0 : i32
    %dma_wait3A_65 = tpu.memref_slice %arg7[%dma_wait3A_64] : memref<12816xf32, #tpu.memory_space<vmem>> -> memref<6400xf32, #tpu.memory_space<vmem>>
    %dma_wait3A_66 = arith.constant 12800 : i32
    %dma_wait3A_67 = tpu.memref_slice %arg5[%dma_wait3A_66] : memref<102400xi32, #tpu.memory_space<vmem>> -> memref<6400xi32, #tpu.memory_space<vmem>>
    %dma_wait3A_68 = arith.constant 0 : i32
    %dma_wait3A_69 = tpu.memref_slice %arg2[%dma_wait3A_68] : memref<1000000xf32, #tpu.memory_space<hbm>> -> memref<1000000xf32, #tpu.memory_space<hbm>>
    tpu.wait_indirect_dma semaphore(%arg11 : memref<!tpu.dma_semaphore, #tpu.memory_space<semaphore_mem>>) src(%dma_wait3A_69 : memref<1000000xf32, #tpu.memory_space<hbm>>) dst(%dma_wait3A_65 : memref<6400xf32, #tpu.memory_space<vmem>>)
    %dma_wait3A_70 = arith.constant 6400 : i32
    %dma_wait3A_71 = tpu.memref_slice %arg7[%dma_wait3A_70] : memref<12816xf32, #tpu.memory_space<vmem>> -> memref<6400xf32, #tpu.memory_space<vmem>>
    %dma_wait3A_72 = arith.constant 19200 : i32
    %dma_wait3A_73 = tpu.memref_slice %arg5[%dma_wait3A_72] : memref<102400xi32, #tpu.memory_space<vmem>> -> memref<6400xi32, #tpu.memory_space<vmem>>
    %dma_wait3A_74 = arith.constant 0 : i32
    %dma_wait3A_75 = tpu.memref_slice %arg2[%dma_wait3A_74] : memref<1000000xf32, #tpu.memory_space<hbm>> -> memref<1000000xf32, #tpu.memory_space<hbm>>
    tpu.wait_indirect_dma semaphore(%arg13 : memref<!tpu.dma_semaphore, #tpu.memory_space<semaphore_mem>>) src(%dma_wait3A_75 : memref<1000000xf32, #tpu.memory_space<hbm>>) dst(%dma_wait3A_71 : memref<6400xf32, #tpu.memory_space<vmem>>)
    %scan3A_76 = arith.constant 0 : i32
    %scan3A_77 = arith.constant 0 : i32
    %scan3A_78 = arith.constant 64 : i32
    %scan3A_79 = arith.addi %scan3A_77, %scan3A_78 : i32
    %scan3A_80 = arith.constant 1 : i32
    scf.for %scan3A_250 = %scan3A_77 to %scan3A_79 step %scan3A_80  : i32 {
      %mul3A_251 = arith.constant 200 : i32
      %mul3A_252 = arith.muli %scan3A_250, %mul3A_251 : i32
      %get3A = arith.index_cast %mul3A_252 : i32 to index
      %get3A_253 = tpu.vector_load %arg7[%get3A] {strides = array<i32>} : memref<12816xf32, #tpu.memory_space<vmem>>, vector<16xf32>,
      %add3A_254 = arith.constant 16 : i32
      %add3A_255 = arith.addi %mul3A_252, %add3A_254 : i32
      %get3A_256 = arith.index_cast %add3A_255 : i32 to index
      %get3A_257 = tpu.vector_load %arg7[%get3A_256] {strides = array<i32>} : memref<12816xf32, #tpu.memory_space<vmem>>, vector<16xf32>,
      %add3A_258 = arith.addf %get3A_253, %get3A_257 : vector<16xf32>
      %add3A_259 = arith.constant 32 : i32
      %add3A_260 = arith.addi %mul3A_252, %add3A_259 : i32
      %get3A_261 = arith.index_cast %add3A_260 : i32 to index
      %get3A_262 = tpu.vector_load %arg7[%get3A_261] {strides = array<i32>} : memref<12816xf32, #tpu.memory_space<vmem>>, vector<16xf32>,
      %add3A_263 = arith.addf %add3A_258, %get3A_262 : vector<16xf32>
      %add3A_264 = arith.constant 48 : i32
      %add3A_265 = arith.addi %mul3A_252, %add3A_264 : i32
      %get3A_266 = arith.index_cast %add3A_265 : i32 to index
      %get3A_267 = tpu.vector_load %arg7[%get3A_266] {strides = array<i32>} : memref<12816xf32, #tpu.memory_space<vmem>>, vector<16xf32>,
      %add3A_268 = arith.addf %add3A_263, %get3A_267 : vector<16xf32>
      %add3A_269 = arith.constant 64 : i32
      %add3A_270 = arith.addi %mul3A_252, %add3A_269 : i32
      %get3A_271 = arith.index_cast %add3A_270 : i32 to index
      %get3A_272 = tpu.vector_load %arg7[%get3A_271] {strides = array<i32>} : memref<12816xf32, #tpu.memory_space<vmem>>, vector<16xf32>,
      %add3A_273 = arith.addf %add3A_268, %get3A_272 : vector<16xf32>
      %add3A_274 = arith.constant 80 : i32
      %add3A_275 = arith.addi %mul3A_252, %add3A_274 : i32
      %get3A_276 = arith.index_cast %add3A_275 : i32 to index
      %get3A_277 = tpu.vector_load %arg7[%get3A_276] {strides = array<i32>} : memref<12816xf32, #tpu.memory_space<vmem>>, vector<16xf32>,
      %add3A_278 = arith.addf %add3A_273, %get3A_277 : vector<16xf32>
      %add3A_279 = arith.constant 96 : i32
      %add3A_280 = arith.addi %mul3A_252, %add3A_279 : i32
      %get3A_281 = arith.index_cast %add3A_280 : i32 to index
      %get3A_282 = tpu.vector_load %arg7[%get3A_281] {strides = array<i32>} : memref<12816xf32, #tpu.memory_space<vmem>>, vector<16xf32>,
      %add3A_283 = arith.addf %add3A_278, %get3A_282 : vector<16xf32>
      %add3A_284 = arith.constant 112 : i32
      %add3A_285 = arith.addi %mul3A_252, %add3A_284 : i32
      %get3A_286 = arith.index_cast %add3A_285 : i32 to index
      %get3A_287 = tpu.vector_load %arg7[%get3A_286] {strides = array<i32>} : memref<12816xf32, #tpu.memory_space<vmem>>, vector<16xf32>,
      %add3A_288 = arith.addf %add3A_283, %get3A_287 : vector<16xf32>
      %add3A_289 = arith.constant 128 : i32
      %add3A_290 = arith.addi %mul3A_252, %add3A_289 : i32
      %get3A_291 = arith.index_cast %add3A_290 : i32 to index
      %get3A_292 = tpu.vector_load %arg7[%get3A_291] {strides = array<i32>} : memref<12816xf32, #tpu.memory_space<vmem>>, vector<16xf32>,
      %add3A_293 = arith.addf %add3A_288, %get3A_292 : vector<16xf32>
      %add3A_294 = arith.constant 144 : i32
      %add3A_295 = arith.addi %mul3A_252, %add3A_294 : i32
      %get3A_296 = arith.index_cast %add3A_295 : i32 to index
      %get3A_297 = tpu.vector_load %arg7[%get3A_296] {strides = array<i32>} : memref<12816xf32, #tpu.memory_space<vmem>>, vector<16xf32>,
      %add3A_298 = arith.addf %add3A_293, %get3A_297 : vector<16xf32>
      %add3A_299 = arith.constant 160 : i32
      %add3A_300 = arith.addi %mul3A_252, %add3A_299 : i32
      %get3A_301 = arith.index_cast %add3A_300 : i32 to index
      %get3A_302 = tpu.vector_load %arg7[%get3A_301] {strides = array<i32>} : memref<12816xf32, #tpu.memory_space<vmem>>, vector<16xf32>,
      %add3A_303 = arith.addf %add3A_298, %get3A_302 : vector<16xf32>
      %add3A_304 = arith.constant 176 : i32
      %add3A_305 = arith.addi %mul3A_252, %add3A_304 : i32
      %get3A_306 = arith.index_cast %add3A_305 : i32 to index
      %get3A_307 = tpu.vector_load %arg7[%get3A_306] {strides = array<i32>} : memref<12816xf32, #tpu.memory_space<vmem>>, vector<16xf32>,
      %add3A_308 = arith.addf %add3A_303, %get3A_307 : vector<16xf32>
      %add3A_309 = arith.constant 192 : i32
      %add3A_310 = arith.addi %mul3A_252, %add3A_309 : i32
      %get3A_311 = arith.index_cast %add3A_310 : i32 to index
      %get3A_312 = tpu.vector_load %arg7[%get3A_311] {strides = array<i32>} : memref<12816xf32, #tpu.memory_space<vmem>>, vector<16xf32>,
      %jit3A = arith.constant 0.000000e+00 : f32
      %broadcast_in_dim3A = vector.broadcast %jit3A : f32 to vector<16xf32>
      %select_n3A = arith.select %lt3A_4, %get3A_312, %broadcast_in_dim3A : vector<16xi1>, vector<16xf32>
      %add3A_313 = arith.addf %add3A_308, %select_n3A : vector<16xf32>
      %broadcast_in_dim3A_314 = arith.constant true
      %broadcast_in_dim3A_315 = vector.broadcast %broadcast_in_dim3A_314 : i1 to vector<16xi1>
      %masked_cumsum3A = tpu.scan <sum>, %add3A_313 masked %broadcast_in_dim3A_315 : vector<16xf32>, vector<16xi1> -> vector<16xf32>
      %add3A_316 = arith.constant 64 : i32
      %add3A_317 = arith.addi %add3A_316, %scan3A_250 : i32
      %swap3A = arith.index_cast %add3A_317 : i32 to index
      %swap3A_318 = tpu.vector_load %arg8[%swap3A] masked %eq3A_6 {strides = array<i32>} : memref<528xf32, #tpu.memory_space<vmem>>, vector<16xf32>, vector<16xi1>
      tpu.vector_store %arg8[%swap3A], %masked_cumsum3A masked %eq3A_6 {strides = array<i32>} : memref<528xf32, #tpu.memory_space<vmem>>, vector<16xf32>, vector<16xi1>
    }
    %scan3A_81 = arith.constant 64 : i32
    %dma_start3A_82 = arith.constant 0 : i32
    %dma_start3A_83 = tpu.memref_slice %arg7[%dma_start3A_82] : memref<12816xf32, #tpu.memory_space<vmem>> -> memref<6400xf32, #tpu.memory_space<vmem>>
    %dma_start3A_84 = arith.constant 38400 : i32
    %dma_start3A_85 = tpu.memref_slice %arg5[%dma_start3A_84] : memref<102400xi32, #tpu.memory_space<vmem>> -> memref<6400xi32, #tpu.memory_space<vmem>>
    %dma_start3A_86 = arith.constant 0 : i32
    %dma_start3A_87 = tpu.memref_slice %arg2[%dma_start3A_86] : memref<1000000xf32, #tpu.memory_space<hbm>> -> memref<1000000xf32, #tpu.memory_space<hbm>>
    tpu.enqueue_indirect_dma source(%dma_start3A_87 : memref<1000000xf32, #tpu.memory_space<hbm>>) target(%dma_start3A_83 : memref<6400xf32, #tpu.memory_space<vmem>>) offsets(%dma_start3A_85 : memref<6400xi32, #tpu.memory_space<vmem>>) semaphore(%arg11 : memref<!tpu.dma_semaphore, #tpu.memory_space<semaphore_mem>>)
    %dma_start3A_88 = arith.constant 6400 : i32
    %dma_start3A_89 = tpu.memref_slice %arg7[%dma_start3A_88] : memref<12816xf32, #tpu.memory_space<vmem>> -> memref<6400xf32, #tpu.memory_space<vmem>>
    %dma_start3A_90 = arith.constant 44800 : i32
    %dma_start3A_91 = tpu.memref_slice %arg5[%dma_start3A_90] : memref<102400xi32, #tpu.memory_space<vmem>> -> memref<6400xi32, #tpu.memory_space<vmem>>
    %dma_start3A_92 = arith.constant 0 : i32
    %dma_start3A_93 = tpu.memref_slice %arg2[%dma_start3A_92] : memref<1000000xf32, #tpu.memory_space<hbm>> -> memref<1000000xf32, #tpu.memory_space<hbm>>
    tpu.enqueue_indirect_dma source(%dma_start3A_93 : memref<1000000xf32, #tpu.memory_space<hbm>>) target(%dma_start3A_89 : memref<6400xf32, #tpu.memory_space<vmem>>) offsets(%dma_start3A_91 : memref<6400xi32, #tpu.memory_space<vmem>>) semaphore(%arg13 : memref<!tpu.dma_semaphore, #tpu.memory_space<semaphore_mem>>)
    %dma_wait3A_94 = arith.constant 0 : i32
    %dma_wait3A_95 = tpu.memref_slice %arg6[%dma_wait3A_94] : memref<12816xf32, #tpu.memory_space<vmem>> -> memref<6400xf32, #tpu.memory_space<vmem>>
    %dma_wait3A_96 = arith.constant 25600 : i32
    %dma_wait3A_97 = tpu.memref_slice %arg5[%dma_wait3A_96] : memref<102400xi32, #tpu.memory_space<vmem>> -> memref<6400xi32, #tpu.memory_space<vmem>>
    %dma_wait3A_98 = arith.constant 0 : i32
    %dma_wait3A_99 = tpu.memref_slice %arg2[%dma_wait3A_98] : memref<1000000xf32, #tpu.memory_space<hbm>> -> memref<1000000xf32, #tpu.memory_space<hbm>>
    tpu.wait_indirect_dma semaphore(%arg10 : memref<!tpu.dma_semaphore, #tpu.memory_space<semaphore_mem>>) src(%dma_wait3A_99 : memref<1000000xf32, #tpu.memory_space<hbm>>) dst(%dma_wait3A_95 : memref<6400xf32, #tpu.memory_space<vmem>>)
    %dma_wait3A_100 = arith.constant 6400 : i32
    %dma_wait3A_101 = tpu.memref_slice %arg6[%dma_wait3A_100] : memref<12816xf32, #tpu.memory_space<vmem>> -> memref<6400xf32, #tpu.memory_space<vmem>>
    %dma_wait3A_102 = arith.constant 32000 : i32
    %dma_wait3A_103 = tpu.memref_slice %arg5[%dma_wait3A_102] : memref<102400xi32, #tpu.memory_space<vmem>> -> memref<6400xi32, #tpu.memory_space<vmem>>
    %dma_wait3A_104 = arith.constant 0 : i32
    %dma_wait3A_105 = tpu.memref_slice %arg2[%dma_wait3A_104] : memref<1000000xf32, #tpu.memory_space<hbm>> -> memref<1000000xf32, #tpu.memory_space<hbm>>
    tpu.wait_indirect_dma semaphore(%arg12 : memref<!tpu.dma_semaphore, #tpu.memory_space<semaphore_mem>>) src(%dma_wait3A_105 : memref<1000000xf32, #tpu.memory_space<hbm>>) dst(%dma_wait3A_101 : memref<6400xf32, #tpu.memory_space<vmem>>)
    %scan3A_106 = arith.constant 0 : i32
    %scan3A_107 = arith.constant 0 : i32
    %scan3A_108 = arith.constant 64 : i32
    %scan3A_109 = arith.addi %scan3A_107, %scan3A_108 : i32
    %scan3A_110 = arith.constant 1 : i32
    scf.for %scan3A_250 = %scan3A_107 to %scan3A_109 step %scan3A_110  : i32 {
      %mul3A_251 = arith.constant 200 : i32
      %mul3A_252 = arith.muli %scan3A_250, %mul3A_251 : i32
      %get3A = arith.index_cast %mul3A_252 : i32 to index
      %get3A_253 = tpu.vector_load %arg6[%get3A] {strides = array<i32>} : memref<12816xf32, #tpu.memory_space<vmem>>, vector<16xf32>,
      %add3A_254 = arith.constant 16 : i32
      %add3A_255 = arith.addi %mul3A_252, %add3A_254 : i32
      %get3A_256 = arith.index_cast %add3A_255 : i32 to index
      %get3A_257 = tpu.vector_load %arg6[%get3A_256] {strides = array<i32>} : memref<12816xf32, #tpu.memory_space<vmem>>, vector<16xf32>,
      %add3A_258 = arith.addf %get3A_253, %get3A_257 : vector<16xf32>
      %add3A_259 = arith.constant 32 : i32
      %add3A_260 = arith.addi %mul3A_252, %add3A_259 : i32
      %get3A_261 = arith.index_cast %add3A_260 : i32 to index
      %get3A_262 = tpu.vector_load %arg6[%get3A_261] {strides = array<i32>} : memref<12816xf32, #tpu.memory_space<vmem>>, vector<16xf32>,
      %add3A_263 = arith.addf %add3A_258, %get3A_262 : vector<16xf32>
      %add3A_264 = arith.constant 48 : i32
      %add3A_265 = arith.addi %mul3A_252, %add3A_264 : i32
      %get3A_266 = arith.index_cast %add3A_265 : i32 to index
      %get3A_267 = tpu.vector_load %arg6[%get3A_266] {strides = array<i32>} : memref<12816xf32, #tpu.memory_space<vmem>>, vector<16xf32>,
      %add3A_268 = arith.addf %add3A_263, %get3A_267 : vector<16xf32>
      %add3A_269 = arith.constant 64 : i32
      %add3A_270 = arith.addi %mul3A_252, %add3A_269 : i32
      %get3A_271 = arith.index_cast %add3A_270 : i32 to index
      %get3A_272 = tpu.vector_load %arg6[%get3A_271] {strides = array<i32>} : memref<12816xf32, #tpu.memory_space<vmem>>, vector<16xf32>,
      %add3A_273 = arith.addf %add3A_268, %get3A_272 : vector<16xf32>
      %add3A_274 = arith.constant 80 : i32
      %add3A_275 = arith.addi %mul3A_252, %add3A_274 : i32
      %get3A_276 = arith.index_cast %add3A_275 : i32 to index
      %get3A_277 = tpu.vector_load %arg6[%get3A_276] {strides = array<i32>} : memref<12816xf32, #tpu.memory_space<vmem>>, vector<16xf32>,
      %add3A_278 = arith.addf %add3A_273, %get3A_277 : vector<16xf32>
      %add3A_279 = arith.constant 96 : i32
      %add3A_280 = arith.addi %mul3A_252, %add3A_279 : i32
      %get3A_281 = arith.index_cast %add3A_280 : i32 to index
      %get3A_282 = tpu.vector_load %arg6[%get3A_281] {strides = array<i32>} : memref<12816xf32, #tpu.memory_space<vmem>>, vector<16xf32>,
      %add3A_283 = arith.addf %add3A_278, %get3A_282 : vector<16xf32>
      %add3A_284 = arith.constant 112 : i32
      %add3A_285 = arith.addi %mul3A_252, %add3A_284 : i32
      %get3A_286 = arith.index_cast %add3A_285 : i32 to index
      %get3A_287 = tpu.vector_load %arg6[%get3A_286] {strides = array<i32>} : memref<12816xf32, #tpu.memory_space<vmem>>, vector<16xf32>,
      %add3A_288 = arith.addf %add3A_283, %get3A_287 : vector<16xf32>
      %add3A_289 = arith.constant 128 : i32
      %add3A_290 = arith.addi %mul3A_252, %add3A_289 : i32
      %get3A_291 = arith.index_cast %add3A_290 : i32 to index
      %get3A_292 = tpu.vector_load %arg6[%get3A_291] {strides = array<i32>} : memref<12816xf32, #tpu.memory_space<vmem>>, vector<16xf32>,
      %add3A_293 = arith.addf %add3A_288, %get3A_292 : vector<16xf32>
      %add3A_294 = arith.constant 144 : i32
      %add3A_295 = arith.addi %mul3A_252, %add3A_294 : i32
      %get3A_296 = arith.index_cast %add3A_295 : i32 to index
      %get3A_297 = tpu.vector_load %arg6[%get3A_296] {strides = array<i32>} : memref<12816xf32, #tpu.memory_space<vmem>>, vector<16xf32>,
      %add3A_298 = arith.addf %add3A_293, %get3A_297 : vector<16xf32>
      %add3A_299 = arith.constant 160 : i32
      %add3A_300 = arith.addi %mul3A_252, %add3A_299 : i32
      %get3A_301 = arith.index_cast %add3A_300 : i32 to index
      %get3A_302 = tpu.vector_load %arg6[%get3A_301] {strides = array<i32>} : memref<12816xf32, #tpu.memory_space<vmem>>, vector<16xf32>,
      %add3A_303 = arith.addf %add3A_298, %get3A_302 : vector<16xf32>
      %add3A_304 = arith.constant 176 : i32
      %add3A_305 = arith.addi %mul3A_252, %add3A_304 : i32
      %get3A_306 = arith.index_cast %add3A_305 : i32 to index
      %get3A_307 = tpu.vector_load %arg6[%get3A_306] {strides = array<i32>} : memref<12816xf32, #tpu.memory_space<vmem>>, vector<16xf32>,
      %add3A_308 = arith.addf %add3A_303, %get3A_307 : vector<16xf32>
      %add3A_309 = arith.constant 192 : i32
      %add3A_310 = arith.addi %mul3A_252, %add3A_309 : i32
      %get3A_311 = arith.index_cast %add3A_310 : i32 to index
      %get3A_312 = tpu.vector_load %arg6[%get3A_311] {strides = array<i32>} : memref<12816xf32, #tpu.memory_space<vmem>>, vector<16xf32>,
      %jit3A = arith.constant 0.000000e+00 : f32
      %broadcast_in_dim3A = vector.broadcast %jit3A : f32 to vector<16xf32>
      %select_n3A = arith.select %lt3A_4, %get3A_312, %broadcast_in_dim3A : vector<16xi1>, vector<16xf32>
      %add3A_313 = arith.addf %add3A_308, %select_n3A : vector<16xf32>
      %broadcast_in_dim3A_314 = arith.constant true
      %broadcast_in_dim3A_315 = vector.broadcast %broadcast_in_dim3A_314 : i1 to vector<16xi1>
      %masked_cumsum3A = tpu.scan <sum>, %add3A_313 masked %broadcast_in_dim3A_315 : vector<16xf32>, vector<16xi1> -> vector<16xf32>
      %add3A_316 = arith.constant 128 : i32
      %add3A_317 = arith.addi %add3A_316, %scan3A_250 : i32
      %swap3A = arith.index_cast %add3A_317 : i32 to index
      %swap3A_318 = tpu.vector_load %arg8[%swap3A] masked %eq3A_6 {strides = array<i32>} : memref<528xf32, #tpu.memory_space<vmem>>, vector<16xf32>, vector<16xi1>
      tpu.vector_store %arg8[%swap3A], %masked_cumsum3A masked %eq3A_6 {strides = array<i32>} : memref<528xf32, #tpu.memory_space<vmem>>, vector<16xf32>, vector<16xi1>
    }
    %scan3A_111 = arith.constant 64 : i32
    %dma_start3A_112 = arith.constant 0 : i32
    %dma_start3A_113 = tpu.memref_slice %arg6[%dma_start3A_112] : memref<12816xf32, #tpu.memory_space<vmem>> -> memref<6400xf32, #tpu.memory_space<vmem>>
    %dma_start3A_114 = arith.constant 51200 : i32
    %dma_start3A_115 = tpu.memref_slice %arg5[%dma_start3A_114] : memref<102400xi32, #tpu.memory_space<vmem>> -> memref<6400xi32, #tpu.memory_space<vmem>>
    %dma_start3A_116 = arith.constant 0 : i32
    %dma_start3A_117 = tpu.memref_slice %arg2[%dma_start3A_116] : memref<1000000xf32, #tpu.memory_space<hbm>> -> memref<1000000xf32, #tpu.memory_space<hbm>>
    tpu.enqueue_indirect_dma source(%dma_start3A_117 : memref<1000000xf32, #tpu.memory_space<hbm>>) target(%dma_start3A_113 : memref<6400xf32, #tpu.memory_space<vmem>>) offsets(%dma_start3A_115 : memref<6400xi32, #tpu.memory_space<vmem>>) semaphore(%arg10 : memref<!tpu.dma_semaphore, #tpu.memory_space<semaphore_mem>>)
    %dma_start3A_118 = arith.constant 6400 : i32
    %dma_start3A_119 = tpu.memref_slice %arg6[%dma_start3A_118] : memref<12816xf32, #tpu.memory_space<vmem>> -> memref<6400xf32, #tpu.memory_space<vmem>>
    %dma_start3A_120 = arith.constant 57600 : i32
    %dma_start3A_121 = tpu.memref_slice %arg5[%dma_start3A_120] : memref<102400xi32, #tpu.memory_space<vmem>> -> memref<6400xi32, #tpu.memory_space<vmem>>
    %dma_start3A_122 = arith.constant 0 : i32
    %dma_start3A_123 = tpu.memref_slice %arg2[%dma_start3A_122] : memref<1000000xf32, #tpu.memory_space<hbm>> -> memref<1000000xf32, #tpu.memory_space<hbm>>
    tpu.enqueue_indirect_dma source(%dma_start3A_123 : memref<1000000xf32, #tpu.memory_space<hbm>>) target(%dma_start3A_119 : memref<6400xf32, #tpu.memory_space<vmem>>) offsets(%dma_start3A_121 : memref<6400xi32, #tpu.memory_space<vmem>>) semaphore(%arg12 : memref<!tpu.dma_semaphore, #tpu.memory_space<semaphore_mem>>)
    %dma_wait3A_124 = arith.constant 0 : i32
    %dma_wait3A_125 = tpu.memref_slice %arg7[%dma_wait3A_124] : memref<12816xf32, #tpu.memory_space<vmem>> -> memref<6400xf32, #tpu.memory_space<vmem>>
    %dma_wait3A_126 = arith.constant 38400 : i32
    %dma_wait3A_127 = tpu.memref_slice %arg5[%dma_wait3A_126] : memref<102400xi32, #tpu.memory_space<vmem>> -> memref<6400xi32, #tpu.memory_space<vmem>>
    %dma_wait3A_128 = arith.constant 0 : i32
    %dma_wait3A_129 = tpu.memref_slice %arg2[%dma_wait3A_128] : memref<1000000xf32, #tpu.memory_space<hbm>> -> memref<1000000xf32, #tpu.memory_space<hbm>>
    tpu.wait_indirect_dma semaphore(%arg11 : memref<!tpu.dma_semaphore, #tpu.memory_space<semaphore_mem>>) src(%dma_wait3A_129 : memref<1000000xf32, #tpu.memory_space<hbm>>) dst(%dma_wait3A_125 : memref<6400xf32, #tpu.memory_space<vmem>>)
    %dma_wait3A_130 = arith.constant 6400 : i32
    %dma_wait3A_131 = tpu.memref_slice %arg7[%dma_wait3A_130] : memref<12816xf32, #tpu.memory_space<vmem>> -> memref<6400xf32, #tpu.memory_space<vmem>>
    %dma_wait3A_132 = arith.constant 44800 : i32
    %dma_wait3A_133 = tpu.memref_slice %arg5[%dma_wait3A_132] : memref<102400xi32, #tpu.memory_space<vmem>> -> memref<6400xi32, #tpu.memory_space<vmem>>
    %dma_wait3A_134 = arith.constant 0 : i32
    %dma_wait3A_135 = tpu.memref_slice %arg2[%dma_wait3A_134] : memref<1000000xf32, #tpu.memory_space<hbm>> -> memref<1000000xf32, #tpu.memory_space<hbm>>
    tpu.wait_indirect_dma semaphore(%arg13 : memref<!tpu.dma_semaphore, #tpu.memory_space<semaphore_mem>>) src(%dma_wait3A_135 : memref<1000000xf32, #tpu.memory_space<hbm>>) dst(%dma_wait3A_131 : memref<6400xf32, #tpu.memory_space<vmem>>)
    %scan3A_136 = arith.constant 0 : i32
    %scan3A_137 = arith.constant 0 : i32
    %scan3A_138 = arith.constant 64 : i32
    %scan3A_139 = arith.addi %scan3A_137, %scan3A_138 : i32
    %scan3A_140 = arith.constant 1 : i32
    scf.for %scan3A_250 = %scan3A_137 to %scan3A_139 step %scan3A_140  : i32 {
      %mul3A_251 = arith.constant 200 : i32
      %mul3A_252 = arith.muli %scan3A_250, %mul3A_251 : i32
      %get3A = arith.index_cast %mul3A_252 : i32 to index
      %get3A_253 = tpu.vector_load %arg7[%get3A] {strides = array<i32>} : memref<12816xf32, #tpu.memory_space<vmem>>, vector<16xf32>,
      %add3A_254 = arith.constant 16 : i32
      %add3A_255 = arith.addi %mul3A_252, %add3A_254 : i32
      %get3A_256 = arith.index_cast %add3A_255 : i32 to index
      %get3A_257 = tpu.vector_load %arg7[%get3A_256] {strides = array<i32>} : memref<12816xf32, #tpu.memory_space<vmem>>, vector<16xf32>,
      %add3A_258 = arith.addf %get3A_253, %get3A_257 : vector<16xf32>
      %add3A_259 = arith.constant 32 : i32
      %add3A_260 = arith.addi %mul3A_252, %add3A_259 : i32
      %get3A_261 = arith.index_cast %add3A_260 : i32 to index
      %get3A_262 = tpu.vector_load %arg7[%get3A_261] {strides = array<i32>} : memref<12816xf32, #tpu.memory_space<vmem>>, vector<16xf32>,
      %add3A_263 = arith.addf %add3A_258, %get3A_262 : vector<16xf32>
      %add3A_264 = arith.constant 48 : i32
      %add3A_265 = arith.addi %mul3A_252, %add3A_264 : i32
      %get3A_266 = arith.index_cast %add3A_265 : i32 to index
      %get3A_267 = tpu.vector_load %arg7[%get3A_266] {strides = array<i32>} : memref<12816xf32, #tpu.memory_space<vmem>>, vector<16xf32>,
      %add3A_268 = arith.addf %add3A_263, %get3A_267 : vector<16xf32>
      %add3A_269 = arith.constant 64 : i32
      %add3A_270 = arith.addi %mul3A_252, %add3A_269 : i32
      %get3A_271 = arith.index_cast %add3A_270 : i32 to index
      %get3A_272 = tpu.vector_load %arg7[%get3A_271] {strides = array<i32>} : memref<12816xf32, #tpu.memory_space<vmem>>, vector<16xf32>,
      %add3A_273 = arith.addf %add3A_268, %get3A_272 : vector<16xf32>
      %add3A_274 = arith.constant 80 : i32
      %add3A_275 = arith.addi %mul3A_252, %add3A_274 : i32
      %get3A_276 = arith.index_cast %add3A_275 : i32 to index
      %get3A_277 = tpu.vector_load %arg7[%get3A_276] {strides = array<i32>} : memref<12816xf32, #tpu.memory_space<vmem>>, vector<16xf32>,
      %add3A_278 = arith.addf %add3A_273, %get3A_277 : vector<16xf32>
      %add3A_279 = arith.constant 96 : i32
      %add3A_280 = arith.addi %mul3A_252, %add3A_279 : i32
      %get3A_281 = arith.index_cast %add3A_280 : i32 to index
      %get3A_282 = tpu.vector_load %arg7[%get3A_281] {strides = array<i32>} : memref<12816xf32, #tpu.memory_space<vmem>>, vector<16xf32>,
      %add3A_283 = arith.addf %add3A_278, %get3A_282 : vector<16xf32>
      %add3A_284 = arith.constant 112 : i32
      %add3A_285 = arith.addi %mul3A_252, %add3A_284 : i32
      %get3A_286 = arith.index_cast %add3A_285 : i32 to index
      %get3A_287 = tpu.vector_load %arg7[%get3A_286] {strides = array<i32>} : memref<12816xf32, #tpu.memory_space<vmem>>, vector<16xf32>,
      %add3A_288 = arith.addf %add3A_283, %get3A_287 : vector<16xf32>
      %add3A_289 = arith.constant 128 : i32
      %add3A_290 = arith.addi %mul3A_252, %add3A_289 : i32
      %get3A_291 = arith.index_cast %add3A_290 : i32 to index
      %get3A_292 = tpu.vector_load %arg7[%get3A_291] {strides = array<i32>} : memref<12816xf32, #tpu.memory_space<vmem>>, vector<16xf32>,
      %add3A_293 = arith.addf %add3A_288, %get3A_292 : vector<16xf32>
      %add3A_294 = arith.constant 144 : i32
      %add3A_295 = arith.addi %mul3A_252, %add3A_294 : i32
      %get3A_296 = arith.index_cast %add3A_295 : i32 to index
      %get3A_297 = tpu.vector_load %arg7[%get3A_296] {strides = array<i32>} : memref<12816xf32, #tpu.memory_space<vmem>>, vector<16xf32>,
      %add3A_298 = arith.addf %add3A_293, %get3A_297 : vector<16xf32>
      %add3A_299 = arith.constant 160 : i32
      %add3A_300 = arith.addi %mul3A_252, %add3A_299 : i32
      %get3A_301 = arith.index_cast %add3A_300 : i32 to index
      %get3A_302 = tpu.vector_load %arg7[%get3A_301] {strides = array<i32>} : memref<12816xf32, #tpu.memory_space<vmem>>, vector<16xf32>,
      %add3A_303 = arith.addf %add3A_298, %get3A_302 : vector<16xf32>
      %add3A_304 = arith.constant 176 : i32
      %add3A_305 = arith.addi %mul3A_252, %add3A_304 : i32
      %get3A_306 = arith.index_cast %add3A_305 : i32 to index
      %get3A_307 = tpu.vector_load %arg7[%get3A_306] {strides = array<i32>} : memref<12816xf32, #tpu.memory_space<vmem>>, vector<16xf32>,
      %add3A_308 = arith.addf %add3A_303, %get3A_307 : vector<16xf32>
      %add3A_309 = arith.constant 192 : i32
      %add3A_310 = arith.addi %mul3A_252, %add3A_309 : i32
      %get3A_311 = arith.index_cast %add3A_310 : i32 to index
      %get3A_312 = tpu.vector_load %arg7[%get3A_311] {strides = array<i32>} : memref<12816xf32, #tpu.memory_space<vmem>>, vector<16xf32>,
      %jit3A = arith.constant 0.000000e+00 : f32
      %broadcast_in_dim3A = vector.broadcast %jit3A : f32 to vector<16xf32>
      %select_n3A = arith.select %lt3A_4, %get3A_312, %broadcast_in_dim3A : vector<16xi1>, vector<16xf32>
      %add3A_313 = arith.addf %add3A_308, %select_n3A : vector<16xf32>
      %broadcast_in_dim3A_314 = arith.constant true
      %broadcast_in_dim3A_315 = vector.broadcast %broadcast_in_dim3A_314 : i1 to vector<16xi1>
      %masked_cumsum3A = tpu.scan <sum>, %add3A_313 masked %broadcast_in_dim3A_315 : vector<16xf32>, vector<16xi1> -> vector<16xf32>
      %add3A_316 = arith.constant 192 : i32
      %add3A_317 = arith.addi %add3A_316, %scan3A_250 : i32
      %swap3A = arith.index_cast %add3A_317 : i32 to index
      %swap3A_318 = tpu.vector_load %arg8[%swap3A] masked %eq3A_6 {strides = array<i32>} : memref<528xf32, #tpu.memory_space<vmem>>, vector<16xf32>, vector<16xi1>
      tpu.vector_store %arg8[%swap3A], %masked_cumsum3A masked %eq3A_6 {strides = array<i32>} : memref<528xf32, #tpu.memory_space<vmem>>, vector<16xf32>, vector<16xi1>
    }
    %scan3A_141 = arith.constant 64 : i32
    %dma_start3A_142 = arith.constant 0 : i32
    %dma_start3A_143 = tpu.memref_slice %arg7[%dma_start3A_142] : memref<12816xf32, #tpu.memory_space<vmem>> -> memref<6400xf32, #tpu.memory_space<vmem>>
    %dma_start3A_144 = arith.constant 64000 : i32
    %dma_start3A_145 = tpu.memref_slice %arg5[%dma_start3A_144] : memref<102400xi32, #tpu.memory_space<vmem>> -> memref<6400xi32, #tpu.memory_space<vmem>>
    %dma_start3A_146 = arith.constant 0 : i32
    %dma_start3A_147 = tpu.memref_slice %arg2[%dma_start3A_146] : memref<1000000xf32, #tpu.memory_space<hbm>> -> memref<1000000xf32, #tpu.memory_space<hbm>>
    tpu.enqueue_indirect_dma source(%dma_start3A_147 : memref<1000000xf32, #tpu.memory_space<hbm>>) target(%dma_start3A_143 : memref<6400xf32, #tpu.memory_space<vmem>>) offsets(%dma_start3A_145 : memref<6400xi32, #tpu.memory_space<vmem>>) semaphore(%arg11 : memref<!tpu.dma_semaphore, #tpu.memory_space<semaphore_mem>>)
    %dma_start3A_148 = arith.constant 6400 : i32
    %dma_start3A_149 = tpu.memref_slice %arg7[%dma_start3A_148] : memref<12816xf32, #tpu.memory_space<vmem>> -> memref<6400xf32, #tpu.memory_space<vmem>>
    %dma_start3A_150 = arith.constant 70400 : i32
    %dma_start3A_151 = tpu.memref_slice %arg5[%dma_start3A_150] : memref<102400xi32, #tpu.memory_space<vmem>> -> memref<6400xi32, #tpu.memory_space<vmem>>
    %dma_start3A_152 = arith.constant 0 : i32
    %dma_start3A_153 = tpu.memref_slice %arg2[%dma_start3A_152] : memref<1000000xf32, #tpu.memory_space<hbm>> -> memref<1000000xf32, #tpu.memory_space<hbm>>
    tpu.enqueue_indirect_dma source(%dma_start3A_153 : memref<1000000xf32, #tpu.memory_space<hbm>>) target(%dma_start3A_149 : memref<6400xf32, #tpu.memory_space<vmem>>) offsets(%dma_start3A_151 : memref<6400xi32, #tpu.memory_space<vmem>>) semaphore(%arg13 : memref<!tpu.dma_semaphore, #tpu.memory_space<semaphore_mem>>)
    %dma_wait3A_154 = arith.constant 0 : i32
    %dma_wait3A_155 = tpu.memref_slice %arg6[%dma_wait3A_154] : memref<12816xf32, #tpu.memory_space<vmem>> -> memref<6400xf32, #tpu.memory_space<vmem>>
    %dma_wait3A_156 = arith.constant 51200 : i32
    %dma_wait3A_157 = tpu.memref_slice %arg5[%dma_wait3A_156] : memref<102400xi32, #tpu.memory_space<vmem>> -> memref<6400xi32, #tpu.memory_space<vmem>>
    %dma_wait3A_158 = arith.constant 0 : i32
    %dma_wait3A_159 = tpu.memref_slice %arg2[%dma_wait3A_158] : memref<1000000xf32, #tpu.memory_space<hbm>> -> memref<1000000xf32, #tpu.memory_space<hbm>>
    tpu.wait_indirect_dma semaphore(%arg10 : memref<!tpu.dma_semaphore, #tpu.memory_space<semaphore_mem>>) src(%dma_wait3A_159 : memref<1000000xf32, #tpu.memory_space<hbm>>) dst(%dma_wait3A_155 : memref<6400xf32, #tpu.memory_space<vmem>>)
    %dma_wait3A_160 = arith.constant 6400 : i32
    %dma_wait3A_161 = tpu.memref_slice %arg6[%dma_wait3A_160] : memref<12816xf32, #tpu.memory_space<vmem>> -> memref<6400xf32, #tpu.memory_space<vmem>>
    %dma_wait3A_162 = arith.constant 57600 : i32
    %dma_wait3A_163 = tpu.memref_slice %arg5[%dma_wait3A_162] : memref<102400xi32, #tpu.memory_space<vmem>> -> memref<6400xi32, #tpu.memory_space<vmem>>
    %dma_wait3A_164 = arith.constant 0 : i32
    %dma_wait3A_165 = tpu.memref_slice %arg2[%dma_wait3A_164] : memref<1000000xf32, #tpu.memory_space<hbm>> -> memref<1000000xf32, #tpu.memory_space<hbm>>
    tpu.wait_indirect_dma semaphore(%arg12 : memref<!tpu.dma_semaphore, #tpu.memory_space<semaphore_mem>>) src(%dma_wait3A_165 : memref<1000000xf32, #tpu.memory_space<hbm>>) dst(%dma_wait3A_161 : memref<6400xf32, #tpu.memory_space<vmem>>)
    %scan3A_166 = arith.constant 0 : i32
    %scan3A_167 = arith.constant 0 : i32
    %scan3A_168 = arith.constant 64 : i32
    %scan3A_169 = arith.addi %scan3A_167, %scan3A_168 : i32
    %scan3A_170 = arith.constant 1 : i32
    scf.for %scan3A_250 = %scan3A_167 to %scan3A_169 step %scan3A_170  : i32 {
      %mul3A_251 = arith.constant 200 : i32
      %mul3A_252 = arith.muli %scan3A_250, %mul3A_251 : i32
      %get3A = arith.index_cast %mul3A_252 : i32 to index
      %get3A_253 = tpu.vector_load %arg6[%get3A] {strides = array<i32>} : memref<12816xf32, #tpu.memory_space<vmem>>, vector<16xf32>,
      %add3A_254 = arith.constant 16 : i32
      %add3A_255 = arith.addi %mul3A_252, %add3A_254 : i32
      %get3A_256 = arith.index_cast %add3A_255 : i32 to index
      %get3A_257 = tpu.vector_load %arg6[%get3A_256] {strides = array<i32>} : memref<12816xf32, #tpu.memory_space<vmem>>, vector<16xf32>,
      %add3A_258 = arith.addf %get3A_253, %get3A_257 : vector<16xf32>
      %add3A_259 = arith.constant 32 : i32
      %add3A_260 = arith.addi %mul3A_252, %add3A_259 : i32
      %get3A_261 = arith.index_cast %add3A_260 : i32 to index
      %get3A_262 = tpu.vector_load %arg6[%get3A_261] {strides = array<i32>} : memref<12816xf32, #tpu.memory_space<vmem>>, vector<16xf32>,
      %add3A_263 = arith.addf %add3A_258, %get3A_262 : vector<16xf32>
      %add3A_264 = arith.constant 48 : i32
      %add3A_265 = arith.addi %mul3A_252, %add3A_264 : i32
      %get3A_266 = arith.index_cast %add3A_265 : i32 to index
      %get3A_267 = tpu.vector_load %arg6[%get3A_266] {strides = array<i32>} : memref<12816xf32, #tpu.memory_space<vmem>>, vector<16xf32>,
      %add3A_268 = arith.addf %add3A_263, %get3A_267 : vector<16xf32>
      %add3A_269 = arith.constant 64 : i32
      %add3A_270 = arith.addi %mul3A_252, %add3A_269 : i32
      %get3A_271 = arith.index_cast %add3A_270 : i32 to index
      %get3A_272 = tpu.vector_load %arg6[%get3A_271] {strides = array<i32>} : memref<12816xf32, #tpu.memory_space<vmem>>, vector<16xf32>,
      %add3A_273 = arith.addf %add3A_268, %get3A_272 : vector<16xf32>
      %add3A_274 = arith.constant 80 : i32
      %add3A_275 = arith.addi %mul3A_252, %add3A_274 : i32
      %get3A_276 = arith.index_cast %add3A_275 : i32 to index
      %get3A_277 = tpu.vector_load %arg6[%get3A_276] {strides = array<i32>} : memref<12816xf32, #tpu.memory_space<vmem>>, vector<16xf32>,
      %add3A_278 = arith.addf %add3A_273, %get3A_277 : vector<16xf32>
      %add3A_279 = arith.constant 96 : i32
      %add3A_280 = arith.addi %mul3A_252, %add3A_279 : i32
      %get3A_281 = arith.index_cast %add3A_280 : i32 to index
      %get3A_282 = tpu.vector_load %arg6[%get3A_281] {strides = array<i32>} : memref<12816xf32, #tpu.memory_space<vmem>>, vector<16xf32>,
      %add3A_283 = arith.addf %add3A_278, %get3A_282 : vector<16xf32>
      %add3A_284 = arith.constant 112 : i32
      %add3A_285 = arith.addi %mul3A_252, %add3A_284 : i32
      %get3A_286 = arith.index_cast %add3A_285 : i32 to index
      %get3A_287 = tpu.vector_load %arg6[%get3A_286] {strides = array<i32>} : memref<12816xf32, #tpu.memory_space<vmem>>, vector<16xf32>,
      %add3A_288 = arith.addf %add3A_283, %get3A_287 : vector<16xf32>
      %add3A_289 = arith.constant 128 : i32
      %add3A_290 = arith.addi %mul3A_252, %add3A_289 : i32
      %get3A_291 = arith.index_cast %add3A_290 : i32 to index
      %get3A_292 = tpu.vector_load %arg6[%get3A_291] {strides = array<i32>} : memref<12816xf32, #tpu.memory_space<vmem>>, vector<16xf32>,
      %add3A_293 = arith.addf %add3A_288, %get3A_292 : vector<16xf32>
      %add3A_294 = arith.constant 144 : i32
      %add3A_295 = arith.addi %mul3A_252, %add3A_294 : i32
      %get3A_296 = arith.index_cast %add3A_295 : i32 to index
      %get3A_297 = tpu.vector_load %arg6[%get3A_296] {strides = array<i32>} : memref<12816xf32, #tpu.memory_space<vmem>>, vector<16xf32>,
      %add3A_298 = arith.addf %add3A_293, %get3A_297 : vector<16xf32>
      %add3A_299 = arith.constant 160 : i32
      %add3A_300 = arith.addi %mul3A_252, %add3A_299 : i32
      %get3A_301 = arith.index_cast %add3A_300 : i32 to index
      %get3A_302 = tpu.vector_load %arg6[%get3A_301] {strides = array<i32>} : memref<12816xf32, #tpu.memory_space<vmem>>, vector<16xf32>,
      %add3A_303 = arith.addf %add3A_298, %get3A_302 : vector<16xf32>
      %add3A_304 = arith.constant 176 : i32
      %add3A_305 = arith.addi %mul3A_252, %add3A_304 : i32
      %get3A_306 = arith.index_cast %add3A_305 : i32 to index
      %get3A_307 = tpu.vector_load %arg6[%get3A_306] {strides = array<i32>} : memref<12816xf32, #tpu.memory_space<vmem>>, vector<16xf32>,
      %add3A_308 = arith.addf %add3A_303, %get3A_307 : vector<16xf32>
      %add3A_309 = arith.constant 192 : i32
      %add3A_310 = arith.addi %mul3A_252, %add3A_309 : i32
      %get3A_311 = arith.index_cast %add3A_310 : i32 to index
      %get3A_312 = tpu.vector_load %arg6[%get3A_311] {strides = array<i32>} : memref<12816xf32, #tpu.memory_space<vmem>>, vector<16xf32>,
      %jit3A = arith.constant 0.000000e+00 : f32
      %broadcast_in_dim3A = vector.broadcast %jit3A : f32 to vector<16xf32>
      %select_n3A = arith.select %lt3A_4, %get3A_312, %broadcast_in_dim3A : vector<16xi1>, vector<16xf32>
      %add3A_313 = arith.addf %add3A_308, %select_n3A : vector<16xf32>
      %broadcast_in_dim3A_314 = arith.constant true
      %broadcast_in_dim3A_315 = vector.broadcast %broadcast_in_dim3A_314 : i1 to vector<16xi1>
      %masked_cumsum3A = tpu.scan <sum>, %add3A_313 masked %broadcast_in_dim3A_315 : vector<16xf32>, vector<16xi1> -> vector<16xf32>
      %add3A_316 = arith.constant 256 : i32
      %add3A_317 = arith.addi %add3A_316, %scan3A_250 : i32
      %swap3A = arith.index_cast %add3A_317 : i32 to index
      %swap3A_318 = tpu.vector_load %arg8[%swap3A] masked %eq3A_6 {strides = array<i32>} : memref<528xf32, #tpu.memory_space<vmem>>, vector<16xf32>, vector<16xi1>
      tpu.vector_store %arg8[%swap3A], %masked_cumsum3A masked %eq3A_6 {strides = array<i32>} : memref<528xf32, #tpu.memory_space<vmem>>, vector<16xf32>, vector<16xi1>
    }
    %scan3A_171 = arith.constant 64 : i32
    %dma_start3A_172 = arith.constant 0 : i32
    %dma_start3A_173 = tpu.memref_slice %arg6[%dma_start3A_172] : memref<12816xf32, #tpu.memory_space<vmem>> -> memref<6400xf32, #tpu.memory_space<vmem>>
    %dma_start3A_174 = arith.constant 76800 : i32
    %dma_start3A_175 = tpu.memref_slice %arg5[%dma_start3A_174] : memref<102400xi32, #tpu.memory_space<vmem>> -> memref<6400xi32, #tpu.memory_space<vmem>>
    %dma_start3A_176 = arith.constant 0 : i32
    %dma_start3A_177 = tpu.memref_slice %arg2[%dma_start3A_176] : memref<1000000xf32, #tpu.memory_space<hbm>> -> memref<1000000xf32, #tpu.memory_space<hbm>>
    tpu.enqueue_indirect_dma source(%dma_start3A_177 : memref<1000000xf32, #tpu.memory_space<hbm>>) target(%dma_start3A_173 : memref<6400xf32, #tpu.memory_space<vmem>>) offsets(%dma_start3A_175 : memref<6400xi32, #tpu.memory_space<vmem>>) semaphore(%arg10 : memref<!tpu.dma_semaphore, #tpu.memory_space<semaphore_mem>>)
    %dma_start3A_178 = arith.constant 6400 : i32
    %dma_start3A_179 = tpu.memref_slice %arg6[%dma_start3A_178] : memref<12816xf32, #tpu.memory_space<vmem>> -> memref<6400xf32, #tpu.memory_space<vmem>>
    %dma_start3A_180 = arith.constant 83200 : i32
    %dma_start3A_181 = tpu.memref_slice %arg5[%dma_start3A_180] : memref<102400xi32, #tpu.memory_space<vmem>> -> memref<6400xi32, #tpu.memory_space<vmem>>
    %dma_start3A_182 = arith.constant 0 : i32
    %dma_start3A_183 = tpu.memref_slice %arg2[%dma_start3A_182] : memref<1000000xf32, #tpu.memory_space<hbm>> -> memref<1000000xf32, #tpu.memory_space<hbm>>
    tpu.enqueue_indirect_dma source(%dma_start3A_183 : memref<1000000xf32, #tpu.memory_space<hbm>>) target(%dma_start3A_179 : memref<6400xf32, #tpu.memory_space<vmem>>) offsets(%dma_start3A_181 : memref<6400xi32, #tpu.memory_space<vmem>>) semaphore(%arg12 : memref<!tpu.dma_semaphore, #tpu.memory_space<semaphore_mem>>)
    %dma_wait3A_184 = arith.constant 0 : i32
    %dma_wait3A_185 = tpu.memref_slice %arg7[%dma_wait3A_184] : memref<12816xf32, #tpu.memory_space<vmem>> -> memref<6400xf32, #tpu.memory_space<vmem>>
    %dma_wait3A_186 = arith.constant 64000 : i32
    %dma_wait3A_187 = tpu.memref_slice %arg5[%dma_wait3A_186] : memref<102400xi32, #tpu.memory_space<vmem>> -> memref<6400xi32, #tpu.memory_space<vmem>>
    %dma_wait3A_188 = arith.constant 0 : i32
    %dma_wait3A_189 = tpu.memref_slice %arg2[%dma_wait3A_188] : memref<1000000xf32, #tpu.memory_space<hbm>> -> memref<1000000xf32, #tpu.memory_space<hbm>>
    tpu.wait_indirect_dma semaphore(%arg11 : memref<!tpu.dma_semaphore, #tpu.memory_space<semaphore_mem>>) src(%dma_wait3A_189 : memref<1000000xf32, #tpu.memory_space<hbm>>) dst(%dma_wait3A_185 : memref<6400xf32, #tpu.memory_space<vmem>>)
    %dma_wait3A_190 = arith.constant 6400 : i32
    %dma_wait3A_191 = tpu.memref_slice %arg7[%dma_wait3A_190] : memref<12816xf32, #tpu.memory_space<vmem>> -> memref<6400xf32, #tpu.memory_space<vmem>>
    %dma_wait3A_192 = arith.constant 70400 : i32
    %dma_wait3A_193 = tpu.memref_slice %arg5[%dma_wait3A_192] : memref<102400xi32, #tpu.memory_space<vmem>> -> memref<6400xi32, #tpu.memory_space<vmem>>
    %dma_wait3A_194 = arith.constant 0 : i32
    %dma_wait3A_195 = tpu.memref_slice %arg2[%dma_wait3A_194] : memref<1000000xf32, #tpu.memory_space<hbm>> -> memref<1000000xf32, #tpu.memory_space<hbm>>
    tpu.wait_indirect_dma semaphore(%arg13 : memref<!tpu.dma_semaphore, #tpu.memory_space<semaphore_mem>>) src(%dma_wait3A_195 : memref<1000000xf32, #tpu.memory_space<hbm>>) dst(%dma_wait3A_191 : memref<6400xf32, #tpu.memory_space<vmem>>)
    %scan3A_196 = arith.constant 0 : i32
    %scan3A_197 = arith.constant 0 : i32
    %scan3A_198 = arith.constant 64 : i32
    %scan3A_199 = arith.addi %scan3A_197, %scan3A_198 : i32
    %scan3A_200 = arith.constant 1 : i32
    scf.for %scan3A_250 = %scan3A_197 to %scan3A_199 step %scan3A_200  : i32 {
      %mul3A_251 = arith.constant 200 : i32
      %mul3A_252 = arith.muli %scan3A_250, %mul3A_251 : i32
      %get3A = arith.index_cast %mul3A_252 : i32 to index
      %get3A_253 = tpu.vector_load %arg7[%get3A] {strides = array<i32>} : memref<12816xf32, #tpu.memory_space<vmem>>, vector<16xf32>,
      %add3A_254 = arith.constant 16 : i32
      %add3A_255 = arith.addi %mul3A_252, %add3A_254 : i32
      %get3A_256 = arith.index_cast %add3A_255 : i32 to index
      %get3A_257 = tpu.vector_load %arg7[%get3A_256] {strides = array<i32>} : memref<12816xf32, #tpu.memory_space<vmem>>, vector<16xf32>,
      %add3A_258 = arith.addf %get3A_253, %get3A_257 : vector<16xf32>
      %add3A_259 = arith.constant 32 : i32
      %add3A_260 = arith.addi %mul3A_252, %add3A_259 : i32
      %get3A_261 = arith.index_cast %add3A_260 : i32 to index
      %get3A_262 = tpu.vector_load %arg7[%get3A_261] {strides = array<i32>} : memref<12816xf32, #tpu.memory_space<vmem>>, vector<16xf32>,
      %add3A_263 = arith.addf %add3A_258, %get3A_262 : vector<16xf32>
      %add3A_264 = arith.constant 48 : i32
      %add3A_265 = arith.addi %mul3A_252, %add3A_264 : i32
      %get3A_266 = arith.index_cast %add3A_265 : i32 to index
      %get3A_267 = tpu.vector_load %arg7[%get3A_266] {strides = array<i32>} : memref<12816xf32, #tpu.memory_space<vmem>>, vector<16xf32>,
      %add3A_268 = arith.addf %add3A_263, %get3A_267 : vector<16xf32>
      %add3A_269 = arith.constant 64 : i32
      %add3A_270 = arith.addi %mul3A_252, %add3A_269 : i32
      %get3A_271 = arith.index_cast %add3A_270 : i32 to index
      %get3A_272 = tpu.vector_load %arg7[%get3A_271] {strides = array<i32>} : memref<12816xf32, #tpu.memory_space<vmem>>, vector<16xf32>,
      %add3A_273 = arith.addf %add3A_268, %get3A_272 : vector<16xf32>
      %add3A_274 = arith.constant 80 : i32
      %add3A_275 = arith.addi %mul3A_252, %add3A_274 : i32
      %get3A_276 = arith.index_cast %add3A_275 : i32 to index
      %get3A_277 = tpu.vector_load %arg7[%get3A_276] {strides = array<i32>} : memref<12816xf32, #tpu.memory_space<vmem>>, vector<16xf32>,
      %add3A_278 = arith.addf %add3A_273, %get3A_277 : vector<16xf32>
      %add3A_279 = arith.constant 96 : i32
      %add3A_280 = arith.addi %mul3A_252, %add3A_279 : i32
      %get3A_281 = arith.index_cast %add3A_280 : i32 to index
      %get3A_282 = tpu.vector_load %arg7[%get3A_281] {strides = array<i32>} : memref<12816xf32, #tpu.memory_space<vmem>>, vector<16xf32>,
      %add3A_283 = arith.addf %add3A_278, %get3A_282 : vector<16xf32>
      %add3A_284 = arith.constant 112 : i32
      %add3A_285 = arith.addi %mul3A_252, %add3A_284 : i32
      %get3A_286 = arith.index_cast %add3A_285 : i32 to index
      %get3A_287 = tpu.vector_load %arg7[%get3A_286] {strides = array<i32>} : memref<12816xf32, #tpu.memory_space<vmem>>, vector<16xf32>,
      %add3A_288 = arith.addf %add3A_283, %get3A_287 : vector<16xf32>
      %add3A_289 = arith.constant 128 : i32
      %add3A_290 = arith.addi %mul3A_252, %add3A_289 : i32
      %get3A_291 = arith.index_cast %add3A_290 : i32 to index
      %get3A_292 = tpu.vector_load %arg7[%get3A_291] {strides = array<i32>} : memref<12816xf32, #tpu.memory_space<vmem>>, vector<16xf32>,
      %add3A_293 = arith.addf %add3A_288, %get3A_292 : vector<16xf32>
      %add3A_294 = arith.constant 144 : i32
      %add3A_295 = arith.addi %mul3A_252, %add3A_294 : i32
      %get3A_296 = arith.index_cast %add3A_295 : i32 to index
      %get3A_297 = tpu.vector_load %arg7[%get3A_296] {strides = array<i32>} : memref<12816xf32, #tpu.memory_space<vmem>>, vector<16xf32>,
      %add3A_298 = arith.addf %add3A_293, %get3A_297 : vector<16xf32>
      %add3A_299 = arith.constant 160 : i32
      %add3A_300 = arith.addi %mul3A_252, %add3A_299 : i32
      %get3A_301 = arith.index_cast %add3A_300 : i32 to index
      %get3A_302 = tpu.vector_load %arg7[%get3A_301] {strides = array<i32>} : memref<12816xf32, #tpu.memory_space<vmem>>, vector<16xf32>,
      %add3A_303 = arith.addf %add3A_298, %get3A_302 : vector<16xf32>
      %add3A_304 = arith.constant 176 : i32
      %add3A_305 = arith.addi %mul3A_252, %add3A_304 : i32
      %get3A_306 = arith.index_cast %add3A_305 : i32 to index
      %get3A_307 = tpu.vector_load %arg7[%get3A_306] {strides = array<i32>} : memref<12816xf32, #tpu.memory_space<vmem>>, vector<16xf32>,
      %add3A_308 = arith.addf %add3A_303, %get3A_307 : vector<16xf32>
      %add3A_309 = arith.constant 192 : i32
      %add3A_310 = arith.addi %mul3A_252, %add3A_309 : i32
      %get3A_311 = arith.index_cast %add3A_310 : i32 to index
      %get3A_312 = tpu.vector_load %arg7[%get3A_311] {strides = array<i32>} : memref<12816xf32, #tpu.memory_space<vmem>>, vector<16xf32>,
      %jit3A = arith.constant 0.000000e+00 : f32
      %broadcast_in_dim3A = vector.broadcast %jit3A : f32 to vector<16xf32>
      %select_n3A = arith.select %lt3A_4, %get3A_312, %broadcast_in_dim3A : vector<16xi1>, vector<16xf32>
      %add3A_313 = arith.addf %add3A_308, %select_n3A : vector<16xf32>
      %broadcast_in_dim3A_314 = arith.constant true
      %broadcast_in_dim3A_315 = vector.broadcast %broadcast_in_dim3A_314 : i1 to vector<16xi1>
      %masked_cumsum3A = tpu.scan <sum>, %add3A_313 masked %broadcast_in_dim3A_315 : vector<16xf32>, vector<16xi1> -> vector<16xf32>
      %add3A_316 = arith.constant 320 : i32
      %add3A_317 = arith.addi %add3A_316, %scan3A_250 : i32
      %swap3A = arith.index_cast %add3A_317 : i32 to index
      %swap3A_318 = tpu.vector_load %arg8[%swap3A] masked %eq3A_6 {strides = array<i32>} : memref<528xf32, #tpu.memory_space<vmem>>, vector<16xf32>, vector<16xi1>
      tpu.vector_store %arg8[%swap3A], %masked_cumsum3A masked %eq3A_6 {strides = array<i32>} : memref<528xf32, #tpu.memory_space<vmem>>, vector<16xf32>, vector<16xi1>
    }
    %scan3A_201 = arith.constant 64 : i32
    %dma_start3A_202 = arith.constant 0 : i32
    %dma_start3A_203 = tpu.memref_slice %arg7[%dma_start3A_202] : memref<12816xf32, #tpu.memory_space<vmem>> -> memref<6400xf32, #tpu.memory_space<vmem>>
    %dma_start3A_204 = arith.constant 89600 : i32
    %dma_start3A_205 = tpu.memref_slice %arg5[%dma_start3A_204] : memref<102400xi32, #tpu.memory_space<vmem>> -> memref<6400xi32, #tpu.memory_space<vmem>>
    %dma_start3A_206 = arith.constant 0 : i32
    %dma_start3A_207 = tpu.memref_slice %arg2[%dma_start3A_206] : memref<1000000xf32, #tpu.memory_space<hbm>> -> memref<1000000xf32, #tpu.memory_space<hbm>>
    tpu.enqueue_indirect_dma source(%dma_start3A_207 : memref<1000000xf32, #tpu.memory_space<hbm>>) target(%dma_start3A_203 : memref<6400xf32, #tpu.memory_space<vmem>>) offsets(%dma_start3A_205 : memref<6400xi32, #tpu.memory_space<vmem>>) semaphore(%arg11 : memref<!tpu.dma_semaphore, #tpu.memory_space<semaphore_mem>>)
    %dma_start3A_208 = arith.constant 6400 : i32
    %dma_start3A_209 = tpu.memref_slice %arg7[%dma_start3A_208] : memref<12816xf32, #tpu.memory_space<vmem>> -> memref<6400xf32, #tpu.memory_space<vmem>>
    %dma_start3A_210 = arith.constant 96000 : i32
    %dma_start3A_211 = tpu.memref_slice %arg5[%dma_start3A_210] : memref<102400xi32, #tpu.memory_space<vmem>> -> memref<6400xi32, #tpu.memory_space<vmem>>
    %dma_start3A_212 = arith.constant 0 : i32
    %dma_start3A_213 = tpu.memref_slice %arg2[%dma_start3A_212] : memref<1000000xf32, #tpu.memory_space<hbm>> -> memref<1000000xf32, #tpu.memory_space<hbm>>
    tpu.enqueue_indirect_dma source(%dma_start3A_213 : memref<1000000xf32, #tpu.memory_space<hbm>>) target(%dma_start3A_209 : memref<6400xf32, #tpu.memory_space<vmem>>) offsets(%dma_start3A_211 : memref<6400xi32, #tpu.memory_space<vmem>>) semaphore(%arg13 : memref<!tpu.dma_semaphore, #tpu.memory_space<semaphore_mem>>)
    %dma_wait3A_214 = arith.constant 0 : i32
    %dma_wait3A_215 = tpu.memref_slice %arg6[%dma_wait3A_214] : memref<12816xf32, #tpu.memory_space<vmem>> -> memref<6400xf32, #tpu.memory_space<vmem>>
    %dma_wait3A_216 = arith.constant 76800 : i32
    %dma_wait3A_217 = tpu.memref_slice %arg5[%dma_wait3A_216] : memref<102400xi32, #tpu.memory_space<vmem>> -> memref<6400xi32, #tpu.memory_space<vmem>>
    %dma_wait3A_218 = arith.constant 0 : i32
    %dma_wait3A_219 = tpu.memref_slice %arg2[%dma_wait3A_218] : memref<1000000xf32, #tpu.memory_space<hbm>> -> memref<1000000xf32, #tpu.memory_space<hbm>>
    tpu.wait_indirect_dma semaphore(%arg10 : memref<!tpu.dma_semaphore, #tpu.memory_space<semaphore_mem>>) src(%dma_wait3A_219 : memref<1000000xf32, #tpu.memory_space<hbm>>) dst(%dma_wait3A_215 : memref<6400xf32, #tpu.memory_space<vmem>>)
    %dma_wait3A_220 = arith.constant 6400 : i32
    %dma_wait3A_221 = tpu.memref_slice %arg6[%dma_wait3A_220] : memref<12816xf32, #tpu.memory_space<vmem>> -> memref<6400xf32, #tpu.memory_space<vmem>>
    %dma_wait3A_222 = arith.constant 83200 : i32
    %dma_wait3A_223 = tpu.memref_slice %arg5[%dma_wait3A_222] : memref<102400xi32, #tpu.memory_space<vmem>> -> memref<6400xi32, #tpu.memory_space<vmem>>
    %dma_wait3A_224 = arith.constant 0 : i32
    %dma_wait3A_225 = tpu.memref_slice %arg2[%dma_wait3A_224] : memref<1000000xf32, #tpu.memory_space<hbm>> -> memref<1000000xf32, #tpu.memory_space<hbm>>
    tpu.wait_indirect_dma semaphore(%arg12 : memref<!tpu.dma_semaphore, #tpu.memory_space<semaphore_mem>>) src(%dma_wait3A_225 : memref<1000000xf32, #tpu.memory_space<hbm>>) dst(%dma_wait3A_221 : memref<6400xf32, #tpu.memory_space<vmem>>)
    %scan3A_226 = arith.constant 0 : i32
    %scan3A_227 = arith.constant 0 : i32
    %scan3A_228 = arith.constant 64 : i32
    %scan3A_229 = arith.addi %scan3A_227, %scan3A_228 : i32
    %scan3A_230 = arith.constant 1 : i32
    scf.for %scan3A_250 = %scan3A_227 to %scan3A_229 step %scan3A_230  : i32 {
      %mul3A_251 = arith.constant 200 : i32
      %mul3A_252 = arith.muli %scan3A_250, %mul3A_251 : i32
      %get3A = arith.index_cast %mul3A_252 : i32 to index
      %get3A_253 = tpu.vector_load %arg6[%get3A] {strides = array<i32>} : memref<12816xf32, #tpu.memory_space<vmem>>, vector<16xf32>,
      %add3A_254 = arith.constant 16 : i32
      %add3A_255 = arith.addi %mul3A_252, %add3A_254 : i32
      %get3A_256 = arith.index_cast %add3A_255 : i32 to index
      %get3A_257 = tpu.vector_load %arg6[%get3A_256] {strides = array<i32>} : memref<12816xf32, #tpu.memory_space<vmem>>, vector<16xf32>,
      %add3A_258 = arith.addf %get3A_253, %get3A_257 : vector<16xf32>
      %add3A_259 = arith.constant 32 : i32
      %add3A_260 = arith.addi %mul3A_252, %add3A_259 : i32
      %get3A_261 = arith.index_cast %add3A_260 : i32 to index
      %get3A_262 = tpu.vector_load %arg6[%get3A_261] {strides = array<i32>} : memref<12816xf32, #tpu.memory_space<vmem>>, vector<16xf32>,
      %add3A_263 = arith.addf %add3A_258, %get3A_262 : vector<16xf32>
      %add3A_264 = arith.constant 48 : i32
      %add3A_265 = arith.addi %mul3A_252, %add3A_264 : i32
      %get3A_266 = arith.index_cast %add3A_265 : i32 to index
      %get3A_267 = tpu.vector_load %arg6[%get3A_266] {strides = array<i32>} : memref<12816xf32, #tpu.memory_space<vmem>>, vector<16xf32>,
      %add3A_268 = arith.addf %add3A_263, %get3A_267 : vector<16xf32>
      %add3A_269 = arith.constant 64 : i32
      %add3A_270 = arith.addi %mul3A_252, %add3A_269 : i32
      %get3A_271 = arith.index_cast %add3A_270 : i32 to index
      %get3A_272 = tpu.vector_load %arg6[%get3A_271] {strides = array<i32>} : memref<12816xf32, #tpu.memory_space<vmem>>, vector<16xf32>,
      %add3A_273 = arith.addf %add3A_268, %get3A_272 : vector<16xf32>
      %add3A_274 = arith.constant 80 : i32
      %add3A_275 = arith.addi %mul3A_252, %add3A_274 : i32
      %get3A_276 = arith.index_cast %add3A_275 : i32 to index
      %get3A_277 = tpu.vector_load %arg6[%get3A_276] {strides = array<i32>} : memref<12816xf32, #tpu.memory_space<vmem>>, vector<16xf32>,
      %add3A_278 = arith.addf %add3A_273, %get3A_277 : vector<16xf32>
      %add3A_279 = arith.constant 96 : i32
      %add3A_280 = arith.addi %mul3A_252, %add3A_279 : i32
      %get3A_281 = arith.index_cast %add3A_280 : i32 to index
      %get3A_282 = tpu.vector_load %arg6[%get3A_281] {strides = array<i32>} : memref<12816xf32, #tpu.memory_space<vmem>>, vector<16xf32>,
      %add3A_283 = arith.addf %add3A_278, %get3A_282 : vector<16xf32>
      %add3A_284 = arith.constant 112 : i32
      %add3A_285 = arith.addi %mul3A_252, %add3A_284 : i32
      %get3A_286 = arith.index_cast %add3A_285 : i32 to index
      %get3A_287 = tpu.vector_load %arg6[%get3A_286] {strides = array<i32>} : memref<12816xf32, #tpu.memory_space<vmem>>, vector<16xf32>,
      %add3A_288 = arith.addf %add3A_283, %get3A_287 : vector<16xf32>
      %add3A_289 = arith.constant 128 : i32
      %add3A_290 = arith.addi %mul3A_252, %add3A_289 : i32
      %get3A_291 = arith.index_cast %add3A_290 : i32 to index
      %get3A_292 = tpu.vector_load %arg6[%get3A_291] {strides = array<i32>} : memref<12816xf32, #tpu.memory_space<vmem>>, vector<16xf32>,
      %add3A_293 = arith.addf %add3A_288, %get3A_292 : vector<16xf32>
      %add3A_294 = arith.constant 144 : i32
      %add3A_295 = arith.addi %mul3A_252, %add3A_294 : i32
      %get3A_296 = arith.index_cast %add3A_295 : i32 to index
      %get3A_297 = tpu.vector_load %arg6[%get3A_296] {strides = array<i32>} : memref<12816xf32, #tpu.memory_space<vmem>>, vector<16xf32>,
      %add3A_298 = arith.addf %add3A_293, %get3A_297 : vector<16xf32>
      %add3A_299 = arith.constant 160 : i32
      %add3A_300 = arith.addi %mul3A_252, %add3A_299 : i32
      %get3A_301 = arith.index_cast %add3A_300 : i32 to index
      %get3A_302 = tpu.vector_load %arg6[%get3A_301] {strides = array<i32>} : memref<12816xf32, #tpu.memory_space<vmem>>, vector<16xf32>,
      %add3A_303 = arith.addf %add3A_298, %get3A_302 : vector<16xf32>
      %add3A_304 = arith.constant 176 : i32
      %add3A_305 = arith.addi %mul3A_252, %add3A_304 : i32
      %get3A_306 = arith.index_cast %add3A_305 : i32 to index
      %get3A_307 = tpu.vector_load %arg6[%get3A_306] {strides = array<i32>} : memref<12816xf32, #tpu.memory_space<vmem>>, vector<16xf32>,
      %add3A_308 = arith.addf %add3A_303, %get3A_307 : vector<16xf32>
      %add3A_309 = arith.constant 192 : i32
      %add3A_310 = arith.addi %mul3A_252, %add3A_309 : i32
      %get3A_311 = arith.index_cast %add3A_310 : i32 to index
      %get3A_312 = tpu.vector_load %arg6[%get3A_311] {strides = array<i32>} : memref<12816xf32, #tpu.memory_space<vmem>>, vector<16xf32>,
      %jit3A = arith.constant 0.000000e+00 : f32
      %broadcast_in_dim3A = vector.broadcast %jit3A : f32 to vector<16xf32>
      %select_n3A = arith.select %lt3A_4, %get3A_312, %broadcast_in_dim3A : vector<16xi1>, vector<16xf32>
      %add3A_313 = arith.addf %add3A_308, %select_n3A : vector<16xf32>
      %broadcast_in_dim3A_314 = arith.constant true
      %broadcast_in_dim3A_315 = vector.broadcast %broadcast_in_dim3A_314 : i1 to vector<16xi1>
      %masked_cumsum3A = tpu.scan <sum>, %add3A_313 masked %broadcast_in_dim3A_315 : vector<16xf32>, vector<16xi1> -> vector<16xf32>
      %add3A_316 = arith.constant 384 : i32
      %add3A_317 = arith.addi %add3A_316, %scan3A_250 : i32
      %swap3A = arith.index_cast %add3A_317 : i32 to index
      %swap3A_318 = tpu.vector_load %arg8[%swap3A] masked %eq3A_6 {strides = array<i32>} : memref<528xf32, #tpu.memory_space<vmem>>, vector<16xf32>, vector<16xi1>
      tpu.vector_store %arg8[%swap3A], %masked_cumsum3A masked %eq3A_6 {strides = array<i32>} : memref<528xf32, #tpu.memory_space<vmem>>, vector<16xf32>, vector<16xi1>
    }
    %scan3A_231 = arith.constant 64 : i32
    %dma_wait3A_232 = arith.constant 0 : i32
    %dma_wait3A_233 = tpu.memref_slice %arg7[%dma_wait3A_232] : memref<12816xf32, #tpu.memory_space<vmem>> -> memref<6400xf32, #tpu.memory_space<vmem>>
    %dma_wait3A_234 = arith.constant 89600 : i32
    %dma_wait3A_235 = tpu.memref_slice %arg5[%dma_wait3A_234] : memref<102400xi32, #tpu.memory_space<vmem>> -> memref<6400xi32, #tpu.memory_space<vmem>>
    %dma_wait3A_236 = arith.constant 0 : i32
    %dma_wait3A_237 = tpu.memref_slice %arg2[%dma_wait3A_236] : memref<1000000xf32, #tpu.memory_space<hbm>> -> memref<1000000xf32, #tpu.memory_space<hbm>>
    tpu.wait_indirect_dma semaphore(%arg11 : memref<!tpu.dma_semaphore, #tpu.memory_space<semaphore_mem>>) src(%dma_wait3A_237 : memref<1000000xf32, #tpu.memory_space<hbm>>) dst(%dma_wait3A_233 : memref<6400xf32, #tpu.memory_space<vmem>>)
    %dma_wait3A_238 = arith.constant 6400 : i32
    %dma_wait3A_239 = tpu.memref_slice %arg7[%dma_wait3A_238] : memref<12816xf32, #tpu.memory_space<vmem>> -> memref<6400xf32, #tpu.memory_space<vmem>>
    %dma_wait3A_240 = arith.constant 96000 : i32
    %dma_wait3A_241 = tpu.memref_slice %arg5[%dma_wait3A_240] : memref<102400xi32, #tpu.memory_space<vmem>> -> memref<6400xi32, #tpu.memory_space<vmem>>
    %dma_wait3A_242 = arith.constant 0 : i32
    %dma_wait3A_243 = tpu.memref_slice %arg2[%dma_wait3A_242] : memref<1000000xf32, #tpu.memory_space<hbm>> -> memref<1000000xf32, #tpu.memory_space<hbm>>
    tpu.wait_indirect_dma semaphore(%arg13 : memref<!tpu.dma_semaphore, #tpu.memory_space<semaphore_mem>>) src(%dma_wait3A_243 : memref<1000000xf32, #tpu.memory_space<hbm>>) dst(%dma_wait3A_239 : memref<6400xf32, #tpu.memory_space<vmem>>)
    %scan3A_244 = arith.constant 0 : i32
    %scan3A_245 = arith.constant 0 : i32
    %scan3A_246 = arith.constant 64 : i32
    %scan3A_247 = arith.addi %scan3A_245, %scan3A_246 : i32
    %scan3A_248 = arith.constant 1 : i32
    scf.for %scan3A_250 = %scan3A_245 to %scan3A_247 step %scan3A_248  : i32 {
      %mul3A_251 = arith.constant 200 : i32
      %mul3A_252 = arith.muli %scan3A_250, %mul3A_251 : i32
      %get3A = arith.index_cast %mul3A_252 : i32 to index
      %get3A_253 = tpu.vector_load %arg7[%get3A] {strides = array<i32>} : memref<12816xf32, #tpu.memory_space<vmem>>, vector<16xf32>,
      %add3A_254 = arith.constant 16 : i32
      %add3A_255 = arith.addi %mul3A_252, %add3A_254 : i32
      %get3A_256 = arith.index_cast %add3A_255 : i32 to index
      %get3A_257 = tpu.vector_load %arg7[%get3A_256] {strides = array<i32>} : memref<12816xf32, #tpu.memory_space<vmem>>, vector<16xf32>,
      %add3A_258 = arith.addf %get3A_253, %get3A_257 : vector<16xf32>
      %add3A_259 = arith.constant 32 : i32
      %add3A_260 = arith.addi %mul3A_252, %add3A_259 : i32
      %get3A_261 = arith.index_cast %add3A_260 : i32 to index
      %get3A_262 = tpu.vector_load %arg7[%get3A_261] {strides = array<i32>} : memref<12816xf32, #tpu.memory_space<vmem>>, vector<16xf32>,
      %add3A_263 = arith.addf %add3A_258, %get3A_262 : vector<16xf32>
      %add3A_264 = arith.constant 48 : i32
      %add3A_265 = arith.addi %mul3A_252, %add3A_264 : i32
      %get3A_266 = arith.index_cast %add3A_265 : i32 to index
      %get3A_267 = tpu.vector_load %arg7[%get3A_266] {strides = array<i32>} : memref<12816xf32, #tpu.memory_space<vmem>>, vector<16xf32>,
      %add3A_268 = arith.addf %add3A_263, %get3A_267 : vector<16xf32>
      %add3A_269 = arith.constant 64 : i32
      %add3A_270 = arith.addi %mul3A_252, %add3A_269 : i32
      %get3A_271 = arith.index_cast %add3A_270 : i32 to index
      %get3A_272 = tpu.vector_load %arg7[%get3A_271] {strides = array<i32>} : memref<12816xf32, #tpu.memory_space<vmem>>, vector<16xf32>,
      %add3A_273 = arith.addf %add3A_268, %get3A_272 : vector<16xf32>
      %add3A_274 = arith.constant 80 : i32
      %add3A_275 = arith.addi %mul3A_252, %add3A_274 : i32
      %get3A_276 = arith.index_cast %add3A_275 : i32 to index
      %get3A_277 = tpu.vector_load %arg7[%get3A_276] {strides = array<i32>} : memref<12816xf32, #tpu.memory_space<vmem>>, vector<16xf32>,
      %add3A_278 = arith.addf %add3A_273, %get3A_277 : vector<16xf32>
      %add3A_279 = arith.constant 96 : i32
      %add3A_280 = arith.addi %mul3A_252, %add3A_279 : i32
      %get3A_281 = arith.index_cast %add3A_280 : i32 to index
      %get3A_282 = tpu.vector_load %arg7[%get3A_281] {strides = array<i32>} : memref<12816xf32, #tpu.memory_space<vmem>>, vector<16xf32>,
      %add3A_283 = arith.addf %add3A_278, %get3A_282 : vector<16xf32>
      %add3A_284 = arith.constant 112 : i32
      %add3A_285 = arith.addi %mul3A_252, %add3A_284 : i32
      %get3A_286 = arith.index_cast %add3A_285 : i32 to index
      %get3A_287 = tpu.vector_load %arg7[%get3A_286] {strides = array<i32>} : memref<12816xf32, #tpu.memory_space<vmem>>, vector<16xf32>,
      %add3A_288 = arith.addf %add3A_283, %get3A_287 : vector<16xf32>
      %add3A_289 = arith.constant 128 : i32
      %add3A_290 = arith.addi %mul3A_252, %add3A_289 : i32
      %get3A_291 = arith.index_cast %add3A_290 : i32 to index
      %get3A_292 = tpu.vector_load %arg7[%get3A_291] {strides = array<i32>} : memref<12816xf32, #tpu.memory_space<vmem>>, vector<16xf32>,
      %add3A_293 = arith.addf %add3A_288, %get3A_292 : vector<16xf32>
      %add3A_294 = arith.constant 144 : i32
      %add3A_295 = arith.addi %mul3A_252, %add3A_294 : i32
      %get3A_296 = arith.index_cast %add3A_295 : i32 to index
      %get3A_297 = tpu.vector_load %arg7[%get3A_296] {strides = array<i32>} : memref<12816xf32, #tpu.memory_space<vmem>>, vector<16xf32>,
      %add3A_298 = arith.addf %add3A_293, %get3A_297 : vector<16xf32>
      %add3A_299 = arith.constant 160 : i32
      %add3A_300 = arith.addi %mul3A_252, %add3A_299 : i32
      %get3A_301 = arith.index_cast %add3A_300 : i32 to index
      %get3A_302 = tpu.vector_load %arg7[%get3A_301] {strides = array<i32>} : memref<12816xf32, #tpu.memory_space<vmem>>, vector<16xf32>,
      %add3A_303 = arith.addf %add3A_298, %get3A_302 : vector<16xf32>
      %add3A_304 = arith.constant 176 : i32
      %add3A_305 = arith.addi %mul3A_252, %add3A_304 : i32
      %get3A_306 = arith.index_cast %add3A_305 : i32 to index
      %get3A_307 = tpu.vector_load %arg7[%get3A_306] {strides = array<i32>} : memref<12816xf32, #tpu.memory_space<vmem>>, vector<16xf32>,
      %add3A_308 = arith.addf %add3A_303, %get3A_307 : vector<16xf32>
      %add3A_309 = arith.constant 192 : i32
      %add3A_310 = arith.addi %mul3A_252, %add3A_309 : i32
      %get3A_311 = arith.index_cast %add3A_310 : i32 to index
      %get3A_312 = tpu.vector_load %arg7[%get3A_311] {strides = array<i32>} : memref<12816xf32, #tpu.memory_space<vmem>>, vector<16xf32>,
      %jit3A = arith.constant 0.000000e+00 : f32
      %broadcast_in_dim3A = vector.broadcast %jit3A : f32 to vector<16xf32>
      %select_n3A = arith.select %lt3A_4, %get3A_312, %broadcast_in_dim3A : vector<16xi1>, vector<16xf32>
      %add3A_313 = arith.addf %add3A_308, %select_n3A : vector<16xf32>
      %broadcast_in_dim3A_314 = arith.constant true
      %broadcast_in_dim3A_315 = vector.broadcast %broadcast_in_dim3A_314 : i1 to vector<16xi1>
      %masked_cumsum3A = tpu.scan <sum>, %add3A_313 masked %broadcast_in_dim3A_315 : vector<16xf32>, vector<16xi1> -> vector<16xf32>
      %add3A_316 = arith.constant 448 : i32
      %add3A_317 = arith.addi %add3A_316, %scan3A_250 : i32
      %swap3A = arith.index_cast %add3A_317 : i32 to index
      %swap3A_318 = tpu.vector_load %arg8[%swap3A] masked %eq3A_6 {strides = array<i32>} : memref<528xf32, #tpu.memory_space<vmem>>, vector<16xf32>, vector<16xi1>
      tpu.vector_store %arg8[%swap3A], %masked_cumsum3A masked %eq3A_6 {strides = array<i32>} : memref<528xf32, #tpu.memory_space<vmem>>, vector<16xf32>, vector<16xi1>
    }
    %scan3A_249 = arith.constant 64 : i32
    "tpu.region"() ({
      %run_scoped3A = tpu.sem_alloc : memref<!tpu.dma_semaphore, #tpu.memory_space<semaphore_mem>>
      %dma_start3A_250 = arith.constant 0 : i32
      %dma_start3A_251 = tpu.memref_slice %arg8[%dma_start3A_250] : memref<528xf32, #tpu.memory_space<vmem>> -> memref<512xf32, #tpu.memory_space<vmem>>
      %dma_start3A_252 = tpu.memref_slice %arg4[%mul3A_2] : memref<16384xf32, #tpu.memory_space<hbm>> -> memref<512xf32, #tpu.memory_space<hbm>>
      %dma_start3A_253 = tpu.memref_slice %arg4[%mul3A_2] : memref<16384xf32, #tpu.memory_space<hbm>> -> memref<512xf32, #tpu.memory_space<hbm>>
      %dma_start3A_254 = arith.constant 0 : i32
      %dma_start3A_255 = tpu.memref_slice %arg8[%dma_start3A_254] : memref<528xf32, #tpu.memory_space<vmem>> -> memref<512xf32, #tpu.memory_space<vmem>>
      tpu.enqueue_dma source(%dma_start3A_255 : memref<512xf32, #tpu.memory_space<vmem>>) target(%dma_start3A_253 : memref<512xf32, #tpu.memory_space<hbm>>) target_semaphore(%run_scoped3A : memref<!tpu.dma_semaphore, #tpu.memory_space<semaphore_mem>>)
      %dma_wait3A_256 = arith.constant 0 : i32
      %dma_wait3A_257 = tpu.memref_slice %arg8[%dma_wait3A_256] : memref<528xf32, #tpu.memory_space<vmem>> -> memref<512xf32, #tpu.memory_space<vmem>>
      %dma_wait3A_258 = tpu.memref_slice %arg4[%mul3A_2] : memref<16384xf32, #tpu.memory_space<hbm>> -> memref<512xf32, #tpu.memory_space<hbm>>
      %dma_wait3A_259 = tpu.memref_slice %arg4[%mul3A_2] : memref<16384xf32, #tpu.memory_space<hbm>> -> memref<512xf32, #tpu.memory_space<hbm>>
      %dma_wait3A_260 = arith.constant 0 : i32
      %dma_wait3A_261 = tpu.memref_slice %arg8[%dma_wait3A_260] : memref<528xf32, #tpu.memory_space<vmem>> -> memref<512xf32, #tpu.memory_space<vmem>>
      tpu.wait_dma2 semaphore(%run_scoped3A : memref<!tpu.dma_semaphore, #tpu.memory_space<semaphore_mem>>) src(%dma_wait3A_261 : memref<512xf32, #tpu.memory_space<vmem>>) dst(%dma_wait3A_259 : memref<512xf32, #tpu.memory_space<hbm>>)
      tpu.yield
    }) : () -> ()
    return
  }
}

module attributes {stable_mosaic.version = 14 : i64} {
  func.func @_tv_body(%arg0: i32, %arg1: memref<32x32768xf32, #tpu.memory_space<vmem>>, %arg2: memref<32x1xf32, #tpu.memory_space<vmem>>, %arg3: memref<1xf32, #tpu.memory_space<smem>>, %arg4: memref<32768xf32, #tpu.memory_space<vmem>>) attributes {dimension_semantics = [#tpu.dimension_semantics<arbitrary>], iteration_bounds = array<i64: 31>, scalar_prefetch = 0 : i64, scratch_operands = 0 : i64, tpu.core_type = #tpu.core_type<tc>, window_params = [{transform_indices = @transform_0, window_bounds = array<i64: 32, 32768>}, {pipeline_mode = #tpu.pipeline_mode<synchronous>, transform_indices = @transform_1, window_bounds = array<i64: 32, 1>}, {transform_indices = @transform_2, window_bounds = array<i64: 1>}, {transform_indices = @transform_3, window_bounds = array<i64: 32768>}]} {
    %get3A = arith.constant 0 : index
    %get3A_0 = arith.constant 0 : index
    %get3A_1 = vector.load %arg1[%get3A, %get3A_0] : memref<32x32768xf32, #tpu.memory_space<vmem>>, vector<32x32768xf32>
    %get3A_2 = arith.constant 0 : index
    %get3A_3 = arith.constant 0 : index
    %get3A_4 = vector.load %arg2[%get3A_2, %get3A_3] : memref<32x1xf32, #tpu.memory_space<vmem>>, vector<32x1xf32>
    %mul3A = vector.broadcast %get3A_4 : vector<32x1xf32> to vector<32x32768xf32>
    %mul3A_5 = arith.mulf %get3A_1, %mul3A : vector<32x32768xf32>
    %reduce_sum3A = arith.constant dense<0.000000e+00> : vector<32768xf32>
    %reduce_sum3A_6 = vector.multi_reduction <add>, %mul3A_5, %reduce_sum3A [0] : vector<32x32768xf32> to vector<32768xf32>
    %get3A_7 = arith.constant 0 : index
    %get3A_8 = memref.load %arg3[%get3A_7] : memref<1xf32, #tpu.memory_space<smem>>
    %add3A = vector.broadcast %get3A_8 : f32 to vector<32768xf32>
    %add3A_9 = arith.addf %reduce_sum3A_6, %add3A : vector<32768xf32>
    %swap3A = arith.constant 0 : index
    %swap3A_10 = vector.load %arg4[%swap3A] : memref<32768xf32, #tpu.memory_space<vmem>>, vector<32768xf32>
    tpu.vector_store %arg4[%swap3A], %add3A_9 {strides = array<i32>} : memref<32768xf32, #tpu.memory_space<vmem>>, vector<32768xf32>,
    return
  }
  func.func @transform_0(%arg0: i32) -> (i32, i32) {
    %c0_i32 = arith.constant 0 : i32
    %c0_i32_0 = arith.constant 0 : i32
    return %c0_i32, %arg0 : i32, i32
  }
  func.func @transform_1(%arg0: i32) -> (i32, i32) {
    %c0_i32 = arith.constant 0 : i32
    %c0_i32_0 = arith.constant 0 : i32
    %c0_i32_1 = arith.constant 0 : i32
    return %c0_i32, %c0_i32_0 : i32, i32
  }
  func.func @transform_2(%arg0: i32) -> i32 {
    %c0_i32 = arith.constant 0 : i32
    %c0_i32_0 = arith.constant 0 : i32
    return %c0_i32 : i32
  }
  func.func @transform_3(%arg0: i32) -> i32 {
    %c0_i32 = arith.constant 0 : i32
    return %arg0 : i32
  }
}

</mosaic_0001>

<sc_bundles>
// kernel: kernel.4.cloned.1.call-start
scs
__scs_entry_jumppad:
0x0: {  	(pc) =	sbr.rel $0x88, $3  }
0x1: {  	(tag) =	ssettag $0x0;
	lr =	simm.s32 $0x1  }
0x2: {  	[smem:$0x3F9D] =	sst lr;
	_ =	strace $0xD0000000  }
0x3: {  	_ = 	snop  }
0x4: {  	_ = 	snop  }
0x5: {  	_ = 	snop  }
0x6: {  	_ = 	snop  }
0x7: {  	_ = 	snop  }
__scs_overlays_trampoline_lowered:
0x8: {  	[smem:$0x3FAC] =	sst s0  }
0x9: {  	[smem:$0x3FAD] =	sst s1  }
0xa: {  	[smem:$0x3FAE] =	sst s2  }
0xb: {  	[smem:$0x3FAF] =	sst s3  }
0xc: {  	[smem:$0x3FB0] =	sst s4  }
0xd: {  	[smem:$0x3FB1] =	sst s5  }
0xe: {  	[smem:$0x3FB2] =	sst s6  }
0xf: {  	[smem:$0x3FB3] =	sst s7  }
0x10: {  	[smem:$0x3FB4] =	sst s8  }
0x11: {  	[smem:$0x3FB5] =	sst s9;
	s0 =	simm.s32 @!p0 $0x0  }
0x12: {  	s1 =	sld [smem:$0x3F9B];
	s0 =	simm.s32 @p0 $0x1  }
0x13: {  	[smem:$0x3FB6] =	sst s0;
	s0 =	simm.s32 @!p1 $0x0  }
0x14: {  	s2 =	sld [smem:$0x3F9A];
	s0 =	simm.s32 @p1 $0x1  }
0x15: {  	[smem:$0x3FB7] =	sst s0;
	s0 =	simm.s32 @!p2 $0x0  }
0x16: {  	s3 =	sld [smem:$0x3FDB];
	s0 =	simm.s32 @p2 $0x1  }
0x17: {  	s4 =	simm.s32 $0x1BF5;
	[smem:$0x3FB9] =	sst s0  }
0x18: {  	s0 =	sld [smem:$0x3F9C];
	_ =	swait.ge [sflag:s4], $0x0  }
0x19: {  	s7 =	sld [smem:$0x3F9D]  }
0x1a: {  	s8 =	sadd.s32 $0xFFFFE003, lr  }
0x1b: {  	s9 =	sadd.s32 $0xFFFFFEF7, lr;
	s5 =	simm.s32 $0xFFFFFFFF;
	p2 =	slt.u32 s8, $0xFFFFF086  }
0x1c: {  	p1 =	slt.u32 s9, $0xF7A;
	s5 =	simm.s32 @!p2 $0x0  }
0x1d: {  	s5 =	simm.s32 @p1 $0x1;
	p0 =	seq.s32 s7, s2  }
0x1e: {  	s7 =	smul.u32 @!p0 $0xF7A, s2;
	p2 =	seq.s32 @!p0 s5, $0x0  }
0x1f: {  	s9 =	smul.u32 $0xF7A, s1;
	s8 =	simm.s32 @!p0 $0x1BF5;
	p2 =	por !p2, p0  }
0x20: {  	[sflag:s8] =	ssyncset.s32 @!p0 $0xFFFFF086;
	s6 =	sadd.s32 @!p0 s3, s7;
	s7 =	simm.s32 @!p0 $0x108  }
0x21: {  	s3 =	sadd.s32 s3, s9;
	s6 =	sadd.s32 @!p0 $0x88, s6;
	s7 =	simm.s32 @p2 $0x1082  }
0x22: {  	[simem:s7], [sflag:s8] =	dma.local @!p0 [hbm:s6], $0xF7A  }
0x23: {  	s9 =	sor.u32 $0xD0000000, s2;
	s6 =	simm.s32 $0x108;
	_ =	swait.ge @!p0 [sflag:s8], $0x0  }
0x24: {  	s3 =	sadd.s32 $0x88, s3;
	s6 =	simm.s32 @!p1 $0x1082;
	[sflag:s4] =	ssyncset.s32 $0xFFFFF086  }
0x25: {  	[simem:s6], [sflag:s4] =	dma.local [hbm:s3], $0xF7A  }
0x26: {  	[smem:$0x3F9D] =	sst s1;
	(tag) =	ssettag s2;
	_ =	strace s9  }
0x27: {  	s1 =	sld [smem:$0x3FAD]  }
0x28: {  	s2 =	sld [smem:$0x3FAE]  }
0x29: {  	s4 =	sld [smem:$0x3FB0]  }
0x2a: {  	p0 =	seq.s32 s5, $0x0;
	s5 =	sld [smem:$0x3FB1]  }
0x2b: {  	s6 =	sld [smem:$0x3FB2]  }
0x2c: {  	s7 =	sld [smem:$0x3FB3]  }
0x2d: {  	s3 =	simm.s32 $0x108;
	s8 =	sld [smem:$0x3FB4]  }
0x2e: {  	s3 =	simm.s32 @!p0 $0x1082;
	s9 =	sld [smem:$0x3FB5]  }
0x2f: {  	lr =	sadd.s32 s0, s3;
	s0 =	sld [smem:$0x3FAC]  }
0x30: {  	s3 =	sld [smem:$0x3FAF]  }
0x31: {  	[smem:$0x3FB8] =	sst s10  }
0x32: {  	s10 =	sld [smem:$0x3FB6];
	_ =	sdelay $0x3  }
0x33: {  	p0 =	seq.s32 s10, $0x1;
	s10 =	sld [smem:$0x3FB8];
	_ =	sdelay $0x3  }
0x34: {  	[smem:$0x3FB8] =	sst s10  }
0x35: {  	s10 =	sld [smem:$0x3FB7];
	_ =	sdelay $0x3  }
0x36: {  	p1 =	seq.s32 s10, $0x1;
	s10 =	sld [smem:$0x3FB8];
	_ =	sdelay $0x3  }
0x37: {  	[smem:$0x3FB8] =	sst s10  }
0x38: {  	s10 =	sld [smem:$0x3FB9]  }
0x39: {  	_ = 	snop;
	(pc) =	sbr.ind lr, $3  }
0x3a: {  	_ = 	snop  }
0x3b: {  	_ = 	snop  }
0x3c: {  	p2 =	seq.s32 s10, $0x1;
	s10 =	sld [smem:$0x3FB8]  }
0x3d: {  	_ =	shalt  }
0x3e: {  	_ =	shalt  }
0x3f: {  	_ =	shalt  }
0x40: {  	_ =	shalt  }
0x41: {  	_ =	shalt  }
0x42: {  	_ =	shalt  }
0x43: {  	_ =	shalt  }
0x44: {  	_ =	shalt  }
0x45: {  	_ =	shalt  }
0x46: {  	_ =	shalt  }
0x47: {  	_ =	shalt  }
0x48: {  	_ =	shalt  }
0x49: {  	_ =	shalt  }
0x4a: {  	_ =	shalt  }
0x4b: {  	_ =	shalt  }
0x4c: {  	_ =	shalt  }
0x4d: {  	_ =	shalt  }
0x4e: {  	_ =	shalt  }
0x4f: {  	_ =	shalt  }
0x50: {  	_ =	shalt  }
0x51: {  	_ =	shalt  }
0x52: {  	_ =	shalt  }
0x53: {  	_ =	shalt  }
0x54: {  	_ =	shalt  }
0x55: {  	_ =	shalt  }
0x56: {  	_ =	shalt  }
0x57: {  	_ =	shalt  }
0x58: {  	_ =	shalt  }
0x59: {  	_ =	shalt  }
0x5a: {  	_ =	shalt  }
0x5b: {  	_ =	shalt  }
0x5c: {  	_ =	shalt  }
0x5d: {  	_ =	shalt  }
0x5e: {  	_ =	shalt  }
0x5f: {  	_ =	shalt  }
0x60: {  	_ =	shalt  }
0x61: {  	_ =	shalt  }
0x62: {  	_ =	shalt  }
0x63: {  	_ =	shalt  }
0x64: {  	_ =	shalt  }
0x65: {  	_ =	shalt  }
0x66: {  	_ =	shalt  }
0x67: {  	_ =	shalt  }
0x68: {  	_ =	shalt  }
0x69: {  	_ =	shalt  }
0x6a: {  	_ =	shalt  }
0x6b: {  	_ =	shalt  }
0x6c: {  	_ =	shalt  }
0x6d: {  	_ =	shalt  }
0x6e: {  	_ =	shalt  }
0x6f: {  	_ =	shalt  }
0x70: {  	_ =	shalt  }
0x71: {  	_ =	shalt  }
0x72: {  	_ =	shalt  }
0x73: {  	_ =	shalt  }
0x74: {  	_ =	shalt  }
0x75: {  	_ =	shalt  }
0x76: {  	_ =	shalt  }
0x77: {  	_ =	shalt  }
0x78: {  	_ =	shalt  }
0x79: {  	_ =	shalt  }
0x7a: {  	_ =	shalt  }
0x7b: {  	_ =	shalt  }
0x7c: {  	_ =	shalt  }
0x7d: {  	_ =	shalt  }
0x7e: {  	_ =	shalt  }
0x7f: {  	_ =	shalt  }
0x80: {  	_ =	shalt  }
0x81: {  	_ =	shalt  }
0x82: {  	_ =	shalt  }
0x83: {  	_ =	shalt  }
0x84: {  	_ =	shalt  }
0x85: {  	_ =	shalt  }
0x86: {  	_ =	shalt  }
0x87: {  	_ =	shalt  }
.Lfunc_end0:
.L_simem_size_0:
called_computation_lowered:
.L_overlay_start_0:
0x88: {  	s2 =	sld [smem:$0x3FD9]  }
0x89: {  	s3 =	sld [smem:$0x3FFE];
	_ =	sdelay $0x1  }
0x8a: {  	s1 =	srdreg.scid  }
0x8b: {  	s0 =	sand.u32 $0x1, s1  }
0x8c: {  	s17 =	sshll.u32 s0, $0xA;
	s2 =	sadd.s32 s3, s2  }
0x8d: {  	s2 =	sadd.s32 s2, s17  }
0x8e: {  	[smem:$0x3FC4] =	sst s2  }
0x8f: {  	_ = 	snop  }
0x90: {  	s2 =	sld [smem:$0x3FD0];
	(tm) =	ssettm $0x1  }
0x91: {  	s18 =	sld [smem:$0x3FFB];
	_ =	sdelay $0x3  }
0x92: {  	_ =	strace s18  }
0x93: {  	s3 =	sld [smem:$0x3FFC];
	_ =	sdelay $0x3  }
0x94: {  	_ =	strace s3  }
0x95: {  	s3 =	sld [smem:$0x3FFD];
	_ =	sdelay $0x3  }
0x96: {  	_ =	strace s3  }
0x97: {  	_ =	strace $0x8FFFFFFF  }
0x98: {  	s19 =	sld [smem:$0x3FDB];
	_ =	sdelay $0x1  }
0x99: {  	s4 =	simm.s32 $_scs_section_size  }
0x9a: {  	s5 =	simm.s32 $_size__tile_overlayer_lowered;
	s6 =	simm.s32 $_tile_overlayer_lowered  }
0x9b: {  	s22 =	simm.s32 $0x1BFF;
	s21 =	sshll.u32 s6, $0x1;
	s3 =	sadd.s32 s4, s19  }
0x9c: {  	s7 =	simm.s32 $0x0;
	s20 =	sshll.u32 s5, $0x1;
	s5 =	sadd.s32 s21, s3  }
0x9d: {  	[timem:s7], [sflag:s22] =	dma.local [hbm:s5], s20  }
0x9e: {  	_ =	swait.ge [sflag:s22], s20  }
0x9f: {  	s4 =	ssub.s32 $0x0, s20;
	[sflag:s22] =	ssyncset.done $0x0  }
0xa0: {  	[sflag:s22] =	ssyncadd.s32 s4;
	_ =	sdelay $0x1  }
0xa1: {  	s23 =	simm.s32 $0x1B8B  }
0xa2: {  	_ =	swait.ge [sflag:s23], $0x1  }
0xa3: {  	[sflag:s23] =	ssyncset.done $0x0  }
0xa4: {  	s25 =	simm.s32 $0x1B8E;
	s24 =	sld [smem:$0x3FFE];
	[sflag:s23] =	ssyncadd.s32 $0xFFFFFFFF  }
0xa5: {  	s26 =	simm.s32 $execute0_lowered;
	[smem:$0x3FD2] =	sst s25  }
0xa6: {  	s5 =	sshll.u32 s26, $0x1;
	_ =	strace $0x80000046;
	[dreg:$0x1] =	wrdreg $0xFFFFFFFF  }
0xa7: {  	s28 =	simm.s32 $_size_execute0_lowered;
	s3 =	sadd.s32 s3, s5;
	[dreg:$0x0] =	wrdreg $0x0  }
0xa8: {  	s5 =	sshll.u32 s28, $0x1;
	[dreg:$0x2] =	wrdreg s3  }
0xa9: {  	[dreg:$0x3] =	wrdreg s5  }
0xaa: {  	[dreg:$0x4] =	wrdreg $0xC0  }
0xab: {  	_ =	task [dreg:s7], $0x5FFFF  }
0xac: {  	[dreg:$0x1] =	wrdreg $0xFFFFFFFF  }
0xad: {  	[dreg:$0x0] =	wrdreg $0x60  }
0xae: {  	[dreg:$0x2] =	wrdreg s24  }
0xaf: {  	[dreg:$0x3] =	wrdreg s2  }
0xb0: {  	[dreg:$0x4] =	wrdreg $0x9  }
0xb1: {  	_ =	task.clear_ibuf [dreg:s7], $0x5FFFF;
	_ =	strace $0x90000046  }
0xb2: {  	s29 =	simm.s32 $0x9;
	_ =	strace $0x80000048  }
0xb3: {  	_ =	swait.ge [sflag:s29], $0x1  }
0xb4: {  	[sflag:s29] =	ssyncadd.s32 $0xFFFFFFFF  }
0xb5: {  	_ =	strace $0x90000048  }
0xb6: {  	_ =	sfence  }
0xb7: {  	s30 =	sld [smem:$0x0];
	_ =	sdelay $0x2  }
0xb8: {  	s31 =	sshll.u32 s1, $0xD;
	s1 =	sshrl.u32 s1, $0x2  }
0xb9: {  	s3 =	sand.u32 $0x4000, s31;
	s1 =	sadd.s32 s1, s30  }
0xba: {  	s0 =	sor.u32 s3, s0;
	s1 =	sshll.u32 s1, $0x11  }
0xbb: {  	s0 =	sor.u32 s1, s0  }
0xbc: {  	s0 =	sadd.s32 $0x8F2B, s0  }
0xbd: {  	[sflag:s0] =	ssyncadd.remote.s32 $0x1  }
0xbe: {  	_ =	sfence.sel $0xFFFF  }
0xbf: {  	[dreg:$0x0] =	wrdreg $0xFFFFFFFF;
	(pc) =	sbr.abs _section_cstart, $3  }
0xc0: {  	[dreg:$0x1] =	wrdreg $0xFFFFFFFF  }
0xc1: {  	_ =	task.clear_ibuf [dreg:s7], $0x2FFFF;
	_ =	strace $0x9FFFFFFF  }
0xc2: {  	(tm) =	ssettm $0x7FFFFFFF  }
0xc3: {  	_ =	shalt  }
tec
execute0_lowered:
.L_overlay_start_1:
0x0: {  	(tag) =	ssettag $0x1  }
0x1: {  	s0 =	rddreg [dreg:$0x0];
	s1 =	srdreg.scid  }
0x2: {  	s2 =	stileid.u32;
	s5 =	rddreg [dreg:$0x1];
	s8 =	simm.s32 $0x1900  }
0x3: {  	s9 =	simm.s32 $0x19000;
	s10 =	simm.s32 $0x1A900;
	s12 =	simm.s32 $0x1C280  }
0x4: {  	s14 =	simm.s32 $0x1DB80;
	s15 =	simm.s32 $0x2;
	s16 =	simm.s32 $0x4  }
0x5: {  	s19 =	simm.s32 $0x3;
	s20 =	simm.s32 $0x5;
	s23 =	simm.s32 $0xC800  }
0x6: {  	s24 =	simm.s32 $0xE100;
	s25 =	simm.s32 $0xFA00;
	s28 =	simm.s32 $0x12C00  }
0x7: {  	s29 =	simm.s32 $0x14500;
	s30 =	simm.s32 $0x15E00;
	s31 =	simm.s32 $0x17700  }
0x8: {  	s1 =	sand.u32 $0x1, s1;
	s3 =	sshll.u32 s2, $0x1;
	s2 =	simm.s32 $0x0  }
0x9: {  	s11 =	simm.s32 $0x0;
	s4 =	sor.u32 s1, s3;
	[smem:$0x7FF] =	sst s2  }
0xa: {  	s1 =	ssub.s32 $0x2, s1;
	s3 =	sadd.s32 $0x64800, s0;
	s6 =	smul.u32 $0x3200, s4  }
0xb: {  	_ =	strace $0x80000047;
	s7 =	sshrl.u32 s1, $0x1;
	s26 =	sshll.u32 s4, $0x6  }
0xc: {  	s1 =	ssub.s32 s1, s7;
	s5 =	sadd.s32 s5, s26;
	s7 =	simm.s32 $0x1  }
0xd: {  	s26 =	simm.s32 $0x11300;
	s0 =	sadd.s32 s6, s0;
	s6 =	smax.u32 s1, $0x1  }
0xe: {  	vm0 =	vmmov $0xff;
	vm1 =	vcmask $0x3F3C;
	s1 =	simm.s32 $0x1F500;
	s4 =	sadd.s32 $0x800, s0;
	s0 =	simm.s32 $0x6  }
.LBB2_1:
0xf: {  	[tilespmem:s2], [sflag:$0x1] =	stream.linear.gather [hbm4b:s4+s2], $0x19000, $0x38;
	[tilespmem:$0x1F780] =	vst v63  }
0x10: {  	_ =	swait.ge [sflag:s7], $0x19000  }
0x11: {  	[sflag:s7] =	ssyncset.done $0x0  }
0x12: {  	[sflag:s7] =	ssyncadd.s32 $0xFFFE7000  }
0x13: {  	[tilespmem:s9], [sflag:$0x2] =	stream.indirect.gather [hbm4b:s3+s8], $0x1, s2, s8, $0xb8;
	[tilespmem:$0x1F780] =	vst v63  }
0x14: {  	_ = 	snop  }
0x15: {  	[tilespmem:s10], [sflag:$0x4] =	stream.indirect.gather [hbm4b:s3+s8], $0x1, s8, s8, $0xb8;
	[tilespmem:$0x1F780] =	vst v63  }
0x16: {  	s13 =	simm.s32 $0x3200  }
0x17: {  	[tilespmem:s12], [sflag:$0x3] =	stream.indirect.gather [hbm4b:s3+s8], $0x1, s13, s8, $0xb8;
	[tilespmem:$0x1F780] =	vst v63  }
0x18: {  	s21 =	simm.s32 $0x4B00  }
0x19: {  	[tilespmem:s14], [sflag:$0x5] =	stream.indirect.gather [hbm4b:s3+s8], $0x1, s21, s8, $0xb8;
	[tilespmem:$0x1F780] =	vst v63  }
0x1a: {  	_ =	swait.ge [sflag:s15], $0x1900  }
0x1b: {  	[sflag:s15] =	ssyncset.done $0x0  }
0x1c: {  	[sflag:s15] =	ssyncadd.s32 $0xFFFFE700  }
0x1d: {  	_ =	swait.ge [sflag:s16], $0x1900  }
0x1e: {  	[sflag:s16] =	ssyncset.done $0x0  }
0x1f: {  	s22 =	simm.s32 $0x19060;
	[sflag:s16] =	ssyncadd.s32 $0xFFFFE700  }
0x20: {  	v0 =	vld [tilespmem:s22+$0xFFFFFFB0]  }
0x21: {  	v1 =	vld [tilespmem:s22+$0xFFFFFFA0];
	_ =	sdelay $0x1  }
0x22: {  	v2 =	vld [tilespmem:s22+$0xFFFFFFC0];
	_ =	sdelay $0x1  }
0x23: {  	v3 =	vld [tilespmem:s22+$0xFFFFFFD0]  }
0x24: {  	v0 =	vadd.f32 v0, v1  }
0x25: {  	v1 =	vld [tilespmem:s22+$0xFFFFFFE0]  }
0x26: {  	v0 =	vadd.f32 v2, v0  }
0x27: {  	v2 =	vld [tilespmem:s22+$0xFFFFFFF0]  }
0x28: {  	v0 =	vadd.f32 v3, v0  }
0x29: {  	v3 =	vld [tilespmem:s22+$0x0]  }
0x2a: {  	v0 =	vadd.f32 v1, v0  }
0x2b: {  	v1 =	vld [tilespmem:s22+$0x10]  }
0x2c: {  	s17 =	sand.u32 $0x3FF8, s2;
	v0 =	vadd.f32 v2, v0  }
0x2d: {  	v2 =	vld [tilespmem:s17+$0x19080]  }
0x2e: {  	v0 =	vadd.f32 v3, v0  }
0x2f: {  	v3 =	vld [tilespmem:s22+$0x30]  }
0x30: {  	v0 =	vadd.f32 v1, v0  }
0x31: {  	v1 =	vld [tilespmem:s22+$0x40]  }
0x32: {  	v0 =	vadd.f32 v2, v0  }
0x33: {  	v2 =	vld [tilespmem:s22+$0x50]  }
0x34: {  	v0 =	vadd.f32 v3, v0;
	v3 =	vld [tilespmem:s22+$0x60];
	_ =	sdelay $0x1  }
0x35: {  	v0 =	vadd.f32 v1, v0;
	_ =	sdelay $0x1  }
0x36: {  	v0 =	vadd.f32 v2, v0  }
0x37: {  	v1 =	vnsel vm0, $0x0, v3  }
0x38: {  	v0 =	vadd.f32 v1, v0;
	_ =	sdelay $0x1  }
0x39: {  	(xrf2) =	vadd.scan.msk.f32 $0xffff, v0;
	_ =	sdelay $0x9  }
0x3a: {  	v0, _, _ =	vpop (xrf2)  }
0x3b: {  	s17 =	simm.s32 $0x19128;
	[tilespmem:s1+$0x0] =	vst.msk vm1, v0  }
0x3c: {  	v0 =	vld [tilespmem:s17+$0xFFFFFFB0]  }
0x3d: {  	s18 =	simm.s32 $0xC8;
	s13 =	simm.s32 $0x1F500;
	s21 =	simm.s32 $0x190;
	v1 =	vld [tilespmem:s17+$0xFFFFFFA0]  }
.LBB2_2:
0x3e: {  	p0 =	sne.s32 s21, $0x3138  }
0x3f: {  	v2 =	vld [tilespmem:s17+$0xFFFFFFC0];
	_ =	sdelay $0x1  }
0x40: {  	v3 =	vld [tilespmem:s17+$0xFFFFFFD0]  }
0x41: {  	v0 =	vadd.f32 v0, v1  }
0x42: {  	v1 =	vld [tilespmem:s17+$0xFFFFFFE0]  }
0x43: {  	v0 =	vadd.f32 v2, v0  }
0x44: {  	v2 =	vld [tilespmem:s17+$0xFFFFFFF0]  }
0x45: {  	v0 =	vadd.f32 v3, v0  }
0x46: {  	v3 =	vld [tilespmem:s17+$0x0]  }
0x47: {  	v0 =	vadd.f32 v1, v0  }
0x48: {  	v1 =	vld [tilespmem:s17+$0x10]  }
0x49: {  	s22 =	sand.u32 $0x3FF8, s18;
	s18 =	smov.u32 s21;
	v0 =	vadd.f32 v2, v0  }
0x4a: {  	v2 =	vld [tilespmem:s22+$0x19080]  }
0x4b: {  	v0 =	vadd.f32 v3, v0  }
0x4c: {  	v3 =	vld [tilespmem:s17+$0x30]  }
0x4d: {  	v0 =	vadd.f32 v1, v0  }
0x4e: {  	v1 =	vld [tilespmem:s17+$0x40]  }
0x4f: {  	v0 =	vadd.f32 v2, v0  }
0x50: {  	v2 =	vld [tilespmem:s17+$0x50]  }
0x51: {  	v0 =	vadd.f32 v3, v0;
	v3 =	vld [tilespmem:s17+$0x60];
	_ =	sdelay $0x1  }
0x52: {  	v0 =	vadd.f32 v1, v0;
	_ =	sdelay $0x1  }
0x53: {  	v0 =	vadd.f32 v2, v0  }
0x54: {  	v1 =	vnsel vm0, $0x0, v3  }
0x55: {  	v0 =	vadd.f32 v1, v0;
	_ =	sdelay $0x1  }
0x56: {  	(xrf2) =	vadd.scan.msk.f32 $0xffff, v0;
	_ =	sdelay $0x8  }
.Ltmp0:
0x57: {  	(pc) =	sbr.rel @p0 .LBB2_2-.Ltmp0, $4  }
0x58: {  	s13 =	sadd.s32 $0x1, s13;
	v0, _, _ =	vpop (xrf2)  }
0x59: {  	s17 =	sadd.s32 $0xC8, s17;
	[tilespmem:s13+$0x0] =	vst.msk vm1, v0  }
0x5a: {  	v0 =	vld [tilespmem:s17+$0xFFFFFFB0]  }
0x5b: {  	s21 =	sadd.s32 $0xC8, s21;
	v1 =	vld [tilespmem:s17+$0xFFFFFFA0]  }
0x5c: {  	_ = 	snop  }
0x5d: {  	v2 =	vld [tilespmem:s17+$0xFFFFFFC0];
	_ =	sdelay $0x1  }
0x5e: {  	v3 =	vld [tilespmem:s17+$0xFFFFFFD0]  }
0x5f: {  	v0 =	vadd.f32 v0, v1  }
0x60: {  	v1 =	vld [tilespmem:s17+$0xFFFFFFE0]  }
0x61: {  	v0 =	vadd.f32 v2, v0  }
0x62: {  	v2 =	vld [tilespmem:s17+$0xFFFFFFF0]  }
0x63: {  	v0 =	vadd.f32 v3, v0  }
0x64: {  	v3 =	vld [tilespmem:s17+$0x0]  }
0x65: {  	v0 =	vadd.f32 v1, v0  }
0x66: {  	v1 =	vld [tilespmem:s17+$0x10]  }
0x67: {  	s18 =	sand.u32 $0x3FF8, s18;
	v0 =	vadd.f32 v2, v0  }
0x68: {  	v2 =	vld [tilespmem:s18+$0x19080]  }
0x69: {  	v0 =	vadd.f32 v3, v0  }
0x6a: {  	v3 =	vld [tilespmem:s17+$0x30]  }
0x6b: {  	v0 =	vadd.f32 v1, v0  }
0x6c: {  	v1 =	vld [tilespmem:s17+$0x40]  }
0x6d: {  	v0 =	vadd.f32 v2, v0  }
0x6e: {  	v2 =	vld [tilespmem:s17+$0x50]  }
0x6f: {  	v0 =	vadd.f32 v3, v0;
	v3 =	vld [tilespmem:s17+$0x60];
	_ =	sdelay $0x1  }
0x70: {  	v0 =	vadd.f32 v1, v0;
	_ =	sdelay $0x1  }
0x71: {  	v0 =	vadd.f32 v2, v0  }
0x72: {  	v1 =	vnsel vm0, $0x0, v3  }
0x73: {  	v0 =	vadd.f32 v1, v0;
	_ =	sdelay $0x1  }
0x74: {  	(xrf2) =	vadd.scan.msk.f32 $0xffff, v0;
	_ =	sdelay $0x9  }
0x75: {  	s13 =	sadd.s32 $0x1, s13;
	v0, _, _ =	vpop (xrf2)  }
0x76: {  	s17 =	simm.s32 $0x6400;
	[tilespmem:s13+$0x0] =	vst.msk vm1, v0  }
0x77: {  	[tilespmem:s9], [sflag:$0x2] =	stream.indirect.gather [hbm4b:s3+s8], $0x1, s17, s8, $0xb8;
	[tilespmem:$0x1F780] =	vst v63  }
0x78: {  	s18 =	simm.s32 $0x7D00  }
0x79: {  	[tilespmem:s10], [sflag:$0x4] =	stream.indirect.gather [hbm4b:s3+s8], $0x1, s18, s8, $0xb8;
	[tilespmem:$0x1F780] =	vst v63  }
0x7a: {  	_ =	swait.ge [sflag:s19], $0x1900  }
0x7b: {  	[sflag:s19] =	ssyncset.done $0x0  }
0x7c: {  	[sflag:s19] =	ssyncadd.s32 $0xFFFFE700  }
0x7d: {  	_ =	swait.ge [sflag:s20], $0x1900  }
0x7e: {  	[sflag:s20] =	ssyncset.done $0x0  }
0x7f: {  	s21 =	simm.s32 $0x1C2E0;
	[sflag:s20] =	ssyncadd.s32 $0xFFFFE700  }
0x80: {  	v0 =	vld [tilespmem:s21+$0xFFFFFFB0]  }
0x81: {  	v1 =	vld [tilespmem:s21+$0xFFFFFFA0];
	_ =	sdelay $0x1  }
0x82: {  	v2 =	vld [tilespmem:s21+$0xFFFFFFC0];
	_ =	sdelay $0x1  }
0x83: {  	v3 =	vld [tilespmem:s21+$0xFFFFFFD0]  }
0x84: {  	v0 =	vadd.f32 v0, v1  }
0x85: {  	v1 =	vld [tilespmem:s21+$0xFFFFFFE0]  }
0x86: {  	v0 =	vadd.f32 v2, v0  }
0x87: {  	v2 =	vld [tilespmem:s21+$0xFFFFFFF0]  }
0x88: {  	v0 =	vadd.f32 v3, v0  }
0x89: {  	v3 =	vld [tilespmem:s21+$0x0]  }
0x8a: {  	v0 =	vadd.f32 v1, v0  }
0x8b: {  	s22 =	simm.s32 $0x0;
	v1 =	vld [tilespmem:s21+$0x10]  }
0x8c: {  	s17 =	sand.u32 $0x3FF8, s22;
	v0 =	vadd.f32 v2, v0  }
0x8d: {  	v2 =	vld [tilespmem:s17+$0x1C300]  }
0x8e: {  	v0 =	vadd.f32 v3, v0  }
0x8f: {  	v3 =	vld [tilespmem:s21+$0x30]  }
0x90: {  	v0 =	vadd.f32 v1, v0  }
0x91: {  	v1 =	vld [tilespmem:s21+$0x40]  }
0x92: {  	v0 =	vadd.f32 v2, v0  }
0x93: {  	v2 =	vld [tilespmem:s21+$0x50]  }
0x94: {  	v0 =	vadd.f32 v3, v0;
	v3 =	vld [tilespmem:s21+$0x60];
	_ =	sdelay $0x1  }
0x95: {  	v0 =	vadd.f32 v1, v0;
	_ =	sdelay $0x1  }
0x96: {  	v0 =	vadd.f32 v2, v0  }
0x97: {  	v1 =	vnsel vm0, $0x0, v3  }
0x98: {  	v0 =	vadd.f32 v1, v0;
	_ =	sdelay $0x1  }
0x99: {  	(xrf2) =	vadd.scan.msk.f32 $0xffff, v0;
	_ =	sdelay $0x9  }
0x9a: {  	s13 =	simm.s32 $0x1F540;
	v0, _, _ =	vpop (xrf2)  }
0x9b: {  	s17 =	simm.s32 $0x1C3A8;
	[tilespmem:s13+$0x0] =	vst.msk vm1, v0  }
0x9c: {  	v0 =	vld [tilespmem:s17+$0xFFFFFFB0]  }
0x9d: {  	s18 =	simm.s32 $0xC8;
	s21 =	simm.s32 $0x190;
	v1 =	vld [tilespmem:s17+$0xFFFFFFA0]  }
.LBB2_4:
0x9e: {  	p0 =	sne.s32 s21, $0x3138  }
0x9f: {  	v2 =	vld [tilespmem:s17+$0xFFFFFFC0];
	_ =	sdelay $0x1  }
0xa0: {  	v3 =	vld [tilespmem:s17+$0xFFFFFFD0]  }
0xa1: {  	v0 =	vadd.f32 v0, v1  }
0xa2: {  	v1 =	vld [tilespmem:s17+$0xFFFFFFE0]  }
0xa3: {  	v0 =	vadd.f32 v2, v0  }
0xa4: {  	v2 =	vld [tilespmem:s17+$0xFFFFFFF0]  }
0xa5: {  	v0 =	vadd.f32 v3, v0  }
0xa6: {  	v3 =	vld [tilespmem:s17+$0x0]  }
0xa7: {  	v0 =	vadd.f32 v1, v0  }
0xa8: {  	v1 =	vld [tilespmem:s17+$0x10]  }
0xa9: {  	s22 =	sand.u32 $0x3FF8, s18;
	s18 =	smov.u32 s21;
	v0 =	vadd.f32 v2, v0  }
0xaa: {  	v2 =	vld [tilespmem:s22+$0x1C300]  }
0xab: {  	v0 =	vadd.f32 v3, v0  }
0xac: {  	v3 =	vld [tilespmem:s17+$0x30]  }
0xad: {  	v0 =	vadd.f32 v1, v0  }
0xae: {  	v1 =	vld [tilespmem:s17+$0x40]  }
0xaf: {  	v0 =	vadd.f32 v2, v0  }
0xb0: {  	v2 =	vld [tilespmem:s17+$0x50]  }
0xb1: {  	v0 =	vadd.f32 v3, v0;
	v3 =	vld [tilespmem:s17+$0x60];
	_ =	sdelay $0x1  }
0xb2: {  	v0 =	vadd.f32 v1, v0;
	_ =	sdelay $0x1  }
0xb3: {  	v0 =	vadd.f32 v2, v0  }
0xb4: {  	v1 =	vnsel vm0, $0x0, v3  }
0xb5: {  	v0 =	vadd.f32 v1, v0;
	_ =	sdelay $0x1  }
0xb6: {  	(xrf2) =	vadd.scan.msk.f32 $0xffff, v0;
	_ =	sdelay $0x8  }
.Ltmp1:
0xb7: {  	(pc) =	sbr.rel @p0 .LBB2_4-.Ltmp1, $4  }
0xb8: {  	s13 =	sadd.s32 $0x1, s13;
	v0, _, _ =	vpop (xrf2)  }
0xb9: {  	s17 =	sadd.s32 $0xC8, s17;
	[tilespmem:s13+$0x0] =	vst.msk vm1, v0  }
0xba: {  	v0 =	vld [tilespmem:s17+$0xFFFFFFB0]  }
0xbb: {  	s21 =	sadd.s32 $0xC8, s21;
	v1 =	vld [tilespmem:s17+$0xFFFFFFA0]  }
0xbc: {  	_ = 	snop  }
0xbd: {  	v2 =	vld [tilespmem:s17+$0xFFFFFFC0];
	_ =	sdelay $0x1  }
0xbe: {  	v3 =	vld [tilespmem:s17+$0xFFFFFFD0]  }
0xbf: {  	v0 =	vadd.f32 v0, v1  }
0xc0: {  	v1 =	vld [tilespmem:s17+$0xFFFFFFE0]  }
0xc1: {  	v0 =	vadd.f32 v2, v0  }
0xc2: {  	v2 =	vld [tilespmem:s17+$0xFFFFFFF0]  }
0xc3: {  	v0 =	vadd.f32 v3, v0  }
0xc4: {  	v3 =	vld [tilespmem:s17+$0x0]  }
0xc5: {  	v0 =	vadd.f32 v1, v0  }
0xc6: {  	v1 =	vld [tilespmem:s17+$0x10]  }
0xc7: {  	s18 =	sand.u32 $0x3FF8, s18;
	v0 =	vadd.f32 v2, v0  }
0xc8: {  	v2 =	vld [tilespmem:s18+$0x1C300]  }
0xc9: {  	v0 =	vadd.f32 v3, v0  }
0xca: {  	v3 =	vld [tilespmem:s17+$0x30]  }
0xcb: {  	v0 =	vadd.f32 v1, v0  }
0xcc: {  	v1 =	vld [tilespmem:s17+$0x40]  }
0xcd: {  	v0 =	vadd.f32 v2, v0  }
0xce: {  	v2 =	vld [tilespmem:s17+$0x50]  }
0xcf: {  	v0 =	vadd.f32 v3, v0;
	v3 =	vld [tilespmem:s17+$0x60];
	_ =	sdelay $0x1  }
0xd0: {  	v0 =	vadd.f32 v1, v0;
	_ =	sdelay $0x1  }
0xd1: {  	v0 =	vadd.f32 v2, v0  }
0xd2: {  	v1 =	vnsel vm0, $0x0, v3  }
0xd3: {  	v0 =	vadd.f32 v1, v0;
	_ =	sdelay $0x1  }
0xd4: {  	(xrf2) =	vadd.scan.msk.f32 $0xffff, v0;
	_ =	sdelay $0x9  }
0xd5: {  	s13 =	sadd.s32 $0x1, s13;
	v0, _, _ =	vpop (xrf2)  }
0xd6: {  	s17 =	simm.s32 $0x9600;
	[tilespmem:s13+$0x0] =	vst.msk vm1, v0  }
0xd7: {  	[tilespmem:s12], [sflag:$0x3] =	stream.indirect.gather [hbm4b:s3+s8], $0x1, s17, s8, $0xb8;
	[tilespmem:$0x1F780] =	vst v63  }
0xd8: {  	s18 =	simm.s32 $0xAF00  }
0xd9: {  	[tilespmem:s14], [sflag:$0x5] =	stream.indirect.gather [hbm4b:s3+s8], $0x1, s18, s8, $0xb8;
	[tilespmem:$0x1F780] =	vst v63  }
0xda: {  	_ =	swait.ge [sflag:s15], $0x1900  }
0xdb: {  	[sflag:s15] =	ssyncset.done $0x0  }
0xdc: {  	[sflag:s15] =	ssyncadd.s32 $0xFFFFE700  }
0xdd: {  	_ =	swait.ge [sflag:s16], $0x1900  }
0xde: {  	[sflag:s16] =	ssyncset.done $0x0  }
0xdf: {  	s21 =	simm.s32 $0x19060;
	[sflag:s16] =	ssyncadd.s32 $0xFFFFE700  }
0xe0: {  	v0 =	vld [tilespmem:s21+$0xFFFFFFB0]  }
0xe1: {  	v1 =	vld [tilespmem:s21+$0xFFFFFFA0];
	_ =	sdelay $0x1  }
0xe2: {  	v2 =	vld [tilespmem:s21+$0xFFFFFFC0];
	_ =	sdelay $0x1  }
0xe3: {  	v3 =	vld [tilespmem:s21+$0xFFFFFFD0]  }
0xe4: {  	v0 =	vadd.f32 v0, v1  }
0xe5: {  	v1 =	vld [tilespmem:s21+$0xFFFFFFE0]  }
0xe6: {  	v0 =	vadd.f32 v2, v0  }
0xe7: {  	v2 =	vld [tilespmem:s21+$0xFFFFFFF0]  }
0xe8: {  	v0 =	vadd.f32 v3, v0  }
0xe9: {  	v3 =	vld [tilespmem:s21+$0x0]  }
0xea: {  	v0 =	vadd.f32 v1, v0  }
0xeb: {  	s22 =	simm.s32 $0x0;
	v1 =	vld [tilespmem:s21+$0x10]  }
0xec: {  	s17 =	sand.u32 $0x3FF8, s22;
	v0 =	vadd.f32 v2, v0  }
0xed: {  	v2 =	vld [tilespmem:s17+$0x19080]  }
0xee: {  	v0 =	vadd.f32 v3, v0  }
0xef: {  	v3 =	vld [tilespmem:s21+$0x30]  }
0xf0: {  	v0 =	vadd.f32 v1, v0  }
0xf1: {  	v1 =	vld [tilespmem:s21+$0x40]  }
0xf2: {  	v0 =	vadd.f32 v2, v0  }
0xf3: {  	v2 =	vld [tilespmem:s21+$0x50]  }
0xf4: {  	v0 =	vadd.f32 v3, v0;
	v3 =	vld [tilespmem:s21+$0x60];
	_ =	sdelay $0x1  }
0xf5: {  	v0 =	vadd.f32 v1, v0;
	_ =	sdelay $0x1  }
0xf6: {  	v0 =	vadd.f32 v2, v0  }
0xf7: {  	v1 =	vnsel vm0, $0x0, v3  }
0xf8: {  	v0 =	vadd.f32 v1, v0;
	_ =	sdelay $0x1  }
0xf9: {  	(xrf2) =	vadd.scan.msk.f32 $0xffff, v0;
	_ =	sdelay $0x9  }
0xfa: {  	s13 =	simm.s32 $0x1F580;
	v0, _, _ =	vpop (xrf2)  }
0xfb: {  	s17 =	simm.s32 $0x19128;
	[tilespmem:s13+$0x0] =	vst.msk vm1, v0  }
0xfc: {  	v0 =	vld [tilespmem:s17+$0xFFFFFFB0]  }
0xfd: {  	s18 =	simm.s32 $0xC8;
	s21 =	simm.s32 $0x190;
	v1 =	vld [tilespmem:s17+$0xFFFFFFA0]  }
.LBB2_6:
0xfe: {  	p0 =	sne.s32 s21, $0x3138  }
0xff: {  	v2 =	vld [tilespmem:s17+$0xFFFFFFC0];
	_ =	sdelay $0x1  }
0x100: {  	v3 =	vld [tilespmem:s17+$0xFFFFFFD0]  }
0x101: {  	v0 =	vadd.f32 v0, v1  }
0x102: {  	v1 =	vld [tilespmem:s17+$0xFFFFFFE0]  }
0x103: {  	v0 =	vadd.f32 v2, v0  }
0x104: {  	v2 =	vld [tilespmem:s17+$0xFFFFFFF0]  }
0x105: {  	v0 =	vadd.f32 v3, v0  }
0x106: {  	v3 =	vld [tilespmem:s17+$0x0]  }
0x107: {  	v0 =	vadd.f32 v1, v0  }
0x108: {  	v1 =	vld [tilespmem:s17+$0x10]  }
0x109: {  	s22 =	sand.u32 $0x3FF8, s18;
	s18 =	smov.u32 s21;
	v0 =	vadd.f32 v2, v0  }
0x10a: {  	v2 =	vld [tilespmem:s22+$0x19080]  }
0x10b: {  	v0 =	vadd.f32 v3, v0  }
0x10c: {  	v3 =	vld [tilespmem:s17+$0x30]  }
0x10d: {  	v0 =	vadd.f32 v1, v0  }
0x10e: {  	v1 =	vld [tilespmem:s17+$0x40]  }
0x10f: {  	v0 =	vadd.f32 v2, v0  }
0x110: {  	v2 =	vld [tilespmem:s17+$0x50]  }
0x111: {  	v0 =	vadd.f32 v3, v0;
	v3 =	vld [tilespmem:s17+$0x60];
	_ =	sdelay $0x1  }
0x112: {  	v0 =	vadd.f32 v1, v0;
	_ =	sdelay $0x1  }
0x113: {  	v0 =	vadd.f32 v2, v0  }
0x114: {  	v1 =	vnsel vm0, $0x0, v3  }
0x115: {  	v0 =	vadd.f32 v1, v0;
	_ =	sdelay $0x1  }
0x116: {  	(xrf2) =	vadd.scan.msk.f32 $0xffff, v0;
	_ =	sdelay $0x8  }
.Ltmp2:
0x117: {  	(pc) =	sbr.rel @p0 .LBB2_6-.Ltmp2, $4  }
0x118: {  	s13 =	sadd.s32 $0x1, s13;
	v0, _, _ =	vpop (xrf2)  }
0x119: {  	s17 =	sadd.s32 $0xC8, s17;
	[tilespmem:s13+$0x0] =	vst.msk vm1, v0  }
0x11a: {  	v0 =	vld [tilespmem:s17+$0xFFFFFFB0]  }
0x11b: {  	s21 =	sadd.s32 $0xC8, s21;
	v1 =	vld [tilespmem:s17+$0xFFFFFFA0]  }
0x11c: {  	_ = 	snop  }
0x11d: {  	v2 =	vld [tilespmem:s17+$0xFFFFFFC0];
	_ =	sdelay $0x1  }
0x11e: {  	v3 =	vld [tilespmem:s17+$0xFFFFFFD0]  }
0x11f: {  	v0 =	vadd.f32 v0, v1  }
0x120: {  	v1 =	vld [tilespmem:s17+$0xFFFFFFE0]  }
0x121: {  	v0 =	vadd.f32 v2, v0  }
0x122: {  	v2 =	vld [tilespmem:s17+$0xFFFFFFF0]  }
0x123: {  	v0 =	vadd.f32 v3, v0  }
0x124: {  	v3 =	vld [tilespmem:s17+$0x0]  }
0x125: {  	v0 =	vadd.f32 v1, v0  }
0x126: {  	v1 =	vld [tilespmem:s17+$0x10]  }
0x127: {  	s18 =	sand.u32 $0x3FF8, s18;
	v0 =	vadd.f32 v2, v0  }
0x128: {  	v2 =	vld [tilespmem:s18+$0x19080]  }
0x129: {  	v0 =	vadd.f32 v3, v0  }
0x12a: {  	v3 =	vld [tilespmem:s17+$0x30]  }
0x12b: {  	v0 =	vadd.f32 v1, v0  }
0x12c: {  	v1 =	vld [tilespmem:s17+$0x40]  }
0x12d: {  	v0 =	vadd.f32 v2, v0  }
0x12e: {  	v2 =	vld [tilespmem:s17+$0x50]  }
0x12f: {  	v0 =	vadd.f32 v3, v0;
	v3 =	vld [tilespmem:s17+$0x60];
	_ =	sdelay $0x1  }
0x130: {  	v0 =	vadd.f32 v1, v0;
	_ =	sdelay $0x1  }
0x131: {  	v0 =	vadd.f32 v2, v0  }
0x132: {  	v1 =	vnsel vm0, $0x0, v3  }
0x133: {  	v0 =	vadd.f32 v1, v0;
	_ =	sdelay $0x1  }
0x134: {  	(xrf2) =	vadd.scan.msk.f32 $0xffff, v0;
	_ =	sdelay $0x9  }
0x135: {  	s13 =	sadd.s32 $0x1, s13;
	v0, _, _ =	vpop (xrf2)  }
0x136: {  	[tilespmem:s13+$0x0] =	vst.msk vm1, v0  }
0x137: {  	[tilespmem:s9], [sflag:$0x2] =	stream.indirect.gather [hbm4b:s3+s8], $0x1, s23, s8, $0xb8;
	[tilespmem:$0x1F780] =	vst v63  }
0x138: {  	_ = 	snop  }
0x139: {  	[tilespmem:s10], [sflag:$0x4] =	stream.indirect.gather [hbm4b:s3+s8], $0x1, s24, s8, $0xb8;
	[tilespmem:$0x1F780] =	vst v63  }
0x13a: {  	_ =	swait.ge [sflag:s19], $0x1900  }
0x13b: {  	[sflag:s19] =	ssyncset.done $0x0  }
0x13c: {  	[sflag:s19] =	ssyncadd.s32 $0xFFFFE700  }
0x13d: {  	_ =	swait.ge [sflag:s20], $0x1900  }
0x13e: {  	[sflag:s20] =	ssyncset.done $0x0  }
0x13f: {  	s21 =	simm.s32 $0x1C2E0;
	[sflag:s20] =	ssyncadd.s32 $0xFFFFE700  }
0x140: {  	v0 =	vld [tilespmem:s21+$0xFFFFFFB0]  }
0x141: {  	v1 =	vld [tilespmem:s21+$0xFFFFFFA0];
	_ =	sdelay $0x1  }
0x142: {  	v2 =	vld [tilespmem:s21+$0xFFFFFFC0];
	_ =	sdelay $0x1  }
0x143: {  	v3 =	vld [tilespmem:s21+$0xFFFFFFD0]  }
0x144: {  	v0 =	vadd.f32 v0, v1  }
0x145: {  	v1 =	vld [tilespmem:s21+$0xFFFFFFE0]  }
0x146: {  	v0 =	vadd.f32 v2, v0  }
0x147: {  	v2 =	vld [tilespmem:s21+$0xFFFFFFF0]  }
0x148: {  	v0 =	vadd.f32 v3, v0  }
0x149: {  	v3 =	vld [tilespmem:s21+$0x0]  }
0x14a: {  	v0 =	vadd.f32 v1, v0  }
0x14b: {  	s22 =	simm.s32 $0x0;
	v1 =	vld [tilespmem:s21+$0x10]  }
0x14c: {  	s17 =	sand.u32 $0x3FF8, s22;
	v0 =	vadd.f32 v2, v0  }
0x14d: {  	v2 =	vld [tilespmem:s17+$0x1C300]  }
0x14e: {  	v0 =	vadd.f32 v3, v0  }
0x14f: {  	v3 =	vld [tilespmem:s21+$0x30]  }
0x150: {  	v0 =	vadd.f32 v1, v0  }
0x151: {  	v1 =	vld [tilespmem:s21+$0x40]  }
0x152: {  	v0 =	vadd.f32 v2, v0  }
0x153: {  	v2 =	vld [tilespmem:s21+$0x50]  }
0x154: {  	v0 =	vadd.f32 v3, v0;
	v3 =	vld [tilespmem:s21+$0x60];
	_ =	sdelay $0x1  }
0x155: {  	v0 =	vadd.f32 v1, v0;
	_ =	sdelay $0x1  }
0x156: {  	v0 =	vadd.f32 v2, v0  }
0x157: {  	v1 =	vnsel vm0, $0x0, v3  }
0x158: {  	v0 =	vadd.f32 v1, v0;
	_ =	sdelay $0x1  }
0x159: {  	(xrf2) =	vadd.scan.msk.f32 $0xffff, v0;
	_ =	sdelay $0x9  }
0x15a: {  	s13 =	simm.s32 $0x1F5C0;
	v0, _, _ =	vpop (xrf2)  }
0x15b: {  	s17 =	simm.s32 $0x1C3A8;
	[tilespmem:s13+$0x0] =	vst.msk vm1, v0  }
0x15c: {  	v0 =	vld [tilespmem:s17+$0xFFFFFFB0]  }
0x15d: {  	s18 =	simm.s32 $0xC8;
	s21 =	simm.s32 $0x190;
	v1 =	vld [tilespmem:s17+$0xFFFFFFA0]  }
.LBB2_8:
0x15e: {  	p0 =	sne.s32 s21, $0x3138  }
0x15f: {  	v2 =	vld [tilespmem:s17+$0xFFFFFFC0];
	_ =	sdelay $0x1  }
0x160: {  	v3 =	vld [tilespmem:s17+$0xFFFFFFD0]  }
0x161: {  	v0 =	vadd.f32 v0, v1  }
0x162: {  	v1 =	vld [tilespmem:s17+$0xFFFFFFE0]  }
0x163: {  	v0 =	vadd.f32 v2, v0  }
0x164: {  	v2 =	vld [tilespmem:s17+$0xFFFFFFF0]  }
0x165: {  	v0 =	vadd.f32 v3, v0  }
0x166: {  	v3 =	vld [tilespmem:s17+$0x0]  }
0x167: {  	v0 =	vadd.f32 v1, v0  }
0x168: {  	v1 =	vld [tilespmem:s17+$0x10]  }
0x169: {  	s22 =	sand.u32 $0x3FF8, s18;
	s18 =	smov.u32 s21;
	v0 =	vadd.f32 v2, v0  }
0x16a: {  	v2 =	vld [tilespmem:s22+$0x1C300]  }
0x16b: {  	v0 =	vadd.f32 v3, v0  }
0x16c: {  	v3 =	vld [tilespmem:s17+$0x30]  }
0x16d: {  	v0 =	vadd.f32 v1, v0  }
0x16e: {  	v1 =	vld [tilespmem:s17+$0x40]  }
0x16f: {  	v0 =	vadd.f32 v2, v0  }
0x170: {  	v2 =	vld [tilespmem:s17+$0x50]  }
0x171: {  	v0 =	vadd.f32 v3, v0;
	v3 =	vld [tilespmem:s17+$0x60];
	_ =	sdelay $0x1  }
0x172: {  	v0 =	vadd.f32 v1, v0;
	_ =	sdelay $0x1  }
0x173: {  	v0 =	vadd.f32 v2, v0  }
0x174: {  	v1 =	vnsel vm0, $0x0, v3  }
0x175: {  	v0 =	vadd.f32 v1, v0;
	_ =	sdelay $0x1  }
0x176: {  	(xrf2) =	vadd.scan.msk.f32 $0xffff, v0;
	_ =	sdelay $0x8  }
.Ltmp3:
0x177: {  	(pc) =	sbr.rel @p0 .LBB2_8-.Ltmp3, $4  }
0x178: {  	s13 =	sadd.s32 $0x1, s13;
	v0, _, _ =	vpop (xrf2)  }
0x179: {  	s17 =	sadd.s32 $0xC8, s17;
	[tilespmem:s13+$0x0] =	vst.msk vm1, v0  }
0x17a: {  	v0 =	vld [tilespmem:s17+$0xFFFFFFB0]  }
0x17b: {  	s21 =	sadd.s32 $0xC8, s21;
	v1 =	vld [tilespmem:s17+$0xFFFFFFA0]  }
0x17c: {  	_ = 	snop  }
0x17d: {  	v2 =	vld [tilespmem:s17+$0xFFFFFFC0];
	_ =	sdelay $0x1  }
0x17e: {  	v3 =	vld [tilespmem:s17+$0xFFFFFFD0]  }
0x17f: {  	v0 =	vadd.f32 v0, v1  }
0x180: {  	v1 =	vld [tilespmem:s17+$0xFFFFFFE0]  }
0x181: {  	v0 =	vadd.f32 v2, v0  }
0x182: {  	v2 =	vld [tilespmem:s17+$0xFFFFFFF0]  }
0x183: {  	v0 =	vadd.f32 v3, v0  }
0x184: {  	v3 =	vld [tilespmem:s17+$0x0]  }
0x185: {  	v0 =	vadd.f32 v1, v0  }
0x186: {  	v1 =	vld [tilespmem:s17+$0x10]  }
0x187: {  	s18 =	sand.u32 $0x3FF8, s18;
	v0 =	vadd.f32 v2, v0  }
0x188: {  	v2 =	vld [tilespmem:s18+$0x1C300]  }
0x189: {  	v0 =	vadd.f32 v3, v0  }
0x18a: {  	v3 =	vld [tilespmem:s17+$0x30]  }
0x18b: {  	v0 =	vadd.f32 v1, v0  }
0x18c: {  	v1 =	vld [tilespmem:s17+$0x40]  }
0x18d: {  	v0 =	vadd.f32 v2, v0  }
0x18e: {  	v2 =	vld [tilespmem:s17+$0x50]  }
0x18f: {  	v0 =	vadd.f32 v3, v0;
	v3 =	vld [tilespmem:s17+$0x60];
	_ =	sdelay $0x1  }
0x190: {  	v0 =	vadd.f32 v1, v0;
	_ =	sdelay $0x1  }
0x191: {  	v0 =	vadd.f32 v2, v0  }
0x192: {  	v1 =	vnsel vm0, $0x0, v3  }
0x193: {  	v0 =	vadd.f32 v1, v0;
	_ =	sdelay $0x1  }
0x194: {  	(xrf2) =	vadd.scan.msk.f32 $0xffff, v0;
	_ =	sdelay $0x9  }
0x195: {  	s13 =	sadd.s32 $0x1, s13;
	v0, _, _ =	vpop (xrf2)  }
0x196: {  	[tilespmem:s13+$0x0] =	vst.msk vm1, v0  }
0x197: {  	[tilespmem:s12], [sflag:$0x3] =	stream.indirect.gather [hbm4b:s3+s8], $0x1, s25, s8, $0xb8;
	[tilespmem:$0x1F780] =	vst v63  }
0x198: {  	_ = 	snop  }
0x199: {  	[tilespmem:s14], [sflag:$0x5] =	stream.indirect.gather [hbm4b:s3+s8], $0x1, s26, s8, $0xb8;
	[tilespmem:$0x1F780] =	vst v63  }
0x19a: {  	_ =	swait.ge [sflag:s15], $0x1900  }
0x19b: {  	[sflag:s15] =	ssyncset.done $0x0  }
0x19c: {  	[sflag:s15] =	ssyncadd.s32 $0xFFFFE700  }
0x19d: {  	_ =	swait.ge [sflag:s16], $0x1900  }
0x19e: {  	[sflag:s16] =	ssyncset.done $0x0  }
0x19f: {  	s21 =	simm.s32 $0x19060;
	[sflag:s16] =	ssyncadd.s32 $0xFFFFE700  }
0x1a0: {  	v0 =	vld [tilespmem:s21+$0xFFFFFFB0]  }
0x1a1: {  	v1 =	vld [tilespmem:s21+$0xFFFFFFA0];
	_ =	sdelay $0x1  }
0x1a2: {  	v2 =	vld [tilespmem:s21+$0xFFFFFFC0];
	_ =	sdelay $0x1  }
0x1a3: {  	v3 =	vld [tilespmem:s21+$0xFFFFFFD0]  }
0x1a4: {  	v0 =	vadd.f32 v0, v1  }
0x1a5: {  	v1 =	vld [tilespmem:s21+$0xFFFFFFE0]  }
0x1a6: {  	v0 =	vadd.f32 v2, v0  }
0x1a7: {  	v2 =	vld [tilespmem:s21+$0xFFFFFFF0]  }
0x1a8: {  	v0 =	vadd.f32 v3, v0  }
0x1a9: {  	v3 =	vld [tilespmem:s21+$0x0]  }
0x1aa: {  	v0 =	vadd.f32 v1, v0  }
0x1ab: {  	s22 =	simm.s32 $0x0;
	v1 =	vld [tilespmem:s21+$0x10]  }
0x1ac: {  	s17 =	sand.u32 $0x3FF8, s22;
	v0 =	vadd.f32 v2, v0  }
0x1ad: {  	v2 =	vld [tilespmem:s17+$0x19080]  }
0x1ae: {  	v0 =	vadd.f32 v3, v0  }
0x1af: {  	v3 =	vld [tilespmem:s21+$0x30]  }
0x1b0: {  	v0 =	vadd.f32 v1, v0  }
0x1b1: {  	v1 =	vld [tilespmem:s21+$0x40]  }
0x1b2: {  	v0 =	vadd.f32 v2, v0  }
0x1b3: {  	v2 =	vld [tilespmem:s21+$0x50]  }
0x1b4: {  	v0 =	vadd.f32 v3, v0;
	v3 =	vld [tilespmem:s21+$0x60];
	_ =	sdelay $0x1  }
0x1b5: {  	v0 =	vadd.f32 v1, v0;
	_ =	sdelay $0x1  }
0x1b6: {  	v0 =	vadd.f32 v2, v0  }
0x1b7: {  	v1 =	vnsel vm0, $0x0, v3  }
0x1b8: {  	v0 =	vadd.f32 v1, v0;
	_ =	sdelay $0x1  }
0x1b9: {  	(xrf2) =	vadd.scan.msk.f32 $0xffff, v0;
	_ =	sdelay $0x9  }
0x1ba: {  	s13 =	simm.s32 $0x1F600;
	v0, _, _ =	vpop (xrf2)  }
0x1bb: {  	s17 =	simm.s32 $0x19128;
	[tilespmem:s13+$0x0] =	vst.msk vm1, v0  }
0x1bc: {  	v0 =	vld [tilespmem:s17+$0xFFFFFFB0]  }
0x1bd: {  	s18 =	simm.s32 $0xC8;
	s21 =	simm.s32 $0x190;
	v1 =	vld [tilespmem:s17+$0xFFFFFFA0]  }
.LBB2_10:
0x1be: {  	p0 =	sne.s32 s21, $0x3138  }
0x1bf: {  	v2 =	vld [tilespmem:s17+$0xFFFFFFC0];
	_ =	sdelay $0x1  }
0x1c0: {  	v3 =	vld [tilespmem:s17+$0xFFFFFFD0]  }
0x1c1: {  	v0 =	vadd.f32 v0, v1  }
0x1c2: {  	v1 =	vld [tilespmem:s17+$0xFFFFFFE0]  }
0x1c3: {  	v0 =	vadd.f32 v2, v0  }
0x1c4: {  	v2 =	vld [tilespmem:s17+$0xFFFFFFF0]  }
0x1c5: {  	v0 =	vadd.f32 v3, v0  }
0x1c6: {  	v3 =	vld [tilespmem:s17+$0x0]  }
0x1c7: {  	v0 =	vadd.f32 v1, v0  }
0x1c8: {  	v1 =	vld [tilespmem:s17+$0x10]  }
0x1c9: {  	s22 =	sand.u32 $0x3FF8, s18;
	s18 =	smov.u32 s21;
	v0 =	vadd.f32 v2, v0  }
0x1ca: {  	v2 =	vld [tilespmem:s22+$0x19080]  }
0x1cb: {  	v0 =	vadd.f32 v3, v0  }
0x1cc: {  	v3 =	vld [tilespmem:s17+$0x30]  }
0x1cd: {  	v0 =	vadd.f32 v1, v0  }
0x1ce: {  	v1 =	vld [tilespmem:s17+$0x40]  }
0x1cf: {  	v0 =	vadd.f32 v2, v0  }
0x1d0: {  	v2 =	vld [tilespmem:s17+$0x50]  }
0x1d1: {  	v0 =	vadd.f32 v3, v0;
	v3 =	vld [tilespmem:s17+$0x60];
	_ =	sdelay $0x1  }
0x1d2: {  	v0 =	vadd.f32 v1, v0;
	_ =	sdelay $0x1  }
0x1d3: {  	v0 =	vadd.f32 v2, v0  }
0x1d4: {  	v1 =	vnsel vm0, $0x0, v3  }
0x1d5: {  	v0 =	vadd.f32 v1, v0;
	_ =	sdelay $0x1  }
0x1d6: {  	(xrf2) =	vadd.scan.msk.f32 $0xffff, v0;
	_ =	sdelay $0x8  }
.Ltmp4:
0x1d7: {  	(pc) =	sbr.rel @p0 .LBB2_10-.Ltmp4, $4  }
0x1d8: {  	s13 =	sadd.s32 $0x1, s13;
	v0, _, _ =	vpop (xrf2)  }
0x1d9: {  	s17 =	sadd.s32 $0xC8, s17;
	[tilespmem:s13+$0x0] =	vst.msk vm1, v0  }
0x1da: {  	v0 =	vld [tilespmem:s17+$0xFFFFFFB0]  }
0x1db: {  	s21 =	sadd.s32 $0xC8, s21;
	v1 =	vld [tilespmem:s17+$0xFFFFFFA0]  }
0x1dc: {  	_ = 	snop  }
0x1dd: {  	v2 =	vld [tilespmem:s17+$0xFFFFFFC0];
	_ =	sdelay $0x1  }
0x1de: {  	v3 =	vld [tilespmem:s17+$0xFFFFFFD0]  }
0x1df: {  	v0 =	vadd.f32 v0, v1  }
0x1e0: {  	v1 =	vld [tilespmem:s17+$0xFFFFFFE0]  }
0x1e1: {  	v0 =	vadd.f32 v2, v0  }
0x1e2: {  	v2 =	vld [tilespmem:s17+$0xFFFFFFF0]  }
0x1e3: {  	v0 =	vadd.f32 v3, v0  }
0x1e4: {  	v3 =	vld [tilespmem:s17+$0x0]  }
0x1e5: {  	v0 =	vadd.f32 v1, v0  }
0x1e6: {  	v1 =	vld [tilespmem:s17+$0x10]  }
0x1e7: {  	s18 =	sand.u32 $0x3FF8, s18;
	v0 =	vadd.f32 v2, v0  }
0x1e8: {  	v2 =	vld [tilespmem:s18+$0x19080]  }
0x1e9: {  	v0 =	vadd.f32 v3, v0  }
0x1ea: {  	v3 =	vld [tilespmem:s17+$0x30]  }
0x1eb: {  	v0 =	vadd.f32 v1, v0  }
0x1ec: {  	v1 =	vld [tilespmem:s17+$0x40]  }
0x1ed: {  	v0 =	vadd.f32 v2, v0  }
0x1ee: {  	v2 =	vld [tilespmem:s17+$0x50]  }
0x1ef: {  	v0 =	vadd.f32 v3, v0;
	v3 =	vld [tilespmem:s17+$0x60];
	_ =	sdelay $0x1  }
0x1f0: {  	v0 =	vadd.f32 v1, v0;
	_ =	sdelay $0x1  }
0x1f1: {  	v0 =	vadd.f32 v2, v0  }
0x1f2: {  	v1 =	vnsel vm0, $0x0, v3  }
0x1f3: {  	v0 =	vadd.f32 v1, v0;
	_ =	sdelay $0x1  }
0x1f4: {  	(xrf2) =	vadd.scan.msk.f32 $0xffff, v0;
	_ =	sdelay $0x9  }
0x1f5: {  	s13 =	sadd.s32 $0x1, s13;
	v0, _, _ =	vpop (xrf2)  }
0x1f6: {  	[tilespmem:s13+$0x0] =	vst.msk vm1, v0  }
0x1f7: {  	[tilespmem:s9], [sflag:$0x2] =	stream.indirect.gather [hbm4b:s3+s8], $0x1, s28, s8, $0xb8;
	[tilespmem:$0x1F780] =	vst v63  }
0x1f8: {  	_ = 	snop  }
0x1f9: {  	[tilespmem:s10], [sflag:$0x4] =	stream.indirect.gather [hbm4b:s3+s8], $0x1, s29, s8, $0xb8;
	[tilespmem:$0x1F780] =	vst v63  }
0x1fa: {  	_ =	swait.ge [sflag:s19], $0x1900  }
0x1fb: {  	[sflag:s19] =	ssyncset.done $0x0  }
0x1fc: {  	[sflag:s19] =	ssyncadd.s32 $0xFFFFE700  }
0x1fd: {  	_ =	swait.ge [sflag:s20], $0x1900  }
0x1fe: {  	[sflag:s20] =	ssyncset.done $0x0  }
0x1ff: {  	s21 =	simm.s32 $0x1C2E0;
	[sflag:s20] =	ssyncadd.s32 $0xFFFFE700  }
0x200: {  	v0 =	vld [tilespmem:s21+$0xFFFFFFB0]  }
0x201: {  	v1 =	vld [tilespmem:s21+$0xFFFFFFA0];
	_ =	sdelay $0x1  }
0x202: {  	v2 =	vld [tilespmem:s21+$0xFFFFFFC0];
	_ =	sdelay $0x1  }
0x203: {  	v3 =	vld [tilespmem:s21+$0xFFFFFFD0]  }
0x204: {  	v0 =	vadd.f32 v0, v1  }
0x205: {  	v1 =	vld [tilespmem:s21+$0xFFFFFFE0]  }
0x206: {  	v0 =	vadd.f32 v2, v0  }
0x207: {  	v2 =	vld [tilespmem:s21+$0xFFFFFFF0]  }
0x208: {  	v0 =	vadd.f32 v3, v0  }
0x209: {  	v3 =	vld [tilespmem:s21+$0x0]  }
0x20a: {  	v0 =	vadd.f32 v1, v0  }
0x20b: {  	s22 =	simm.s32 $0x0;
	v1 =	vld [tilespmem:s21+$0x10]  }
0x20c: {  	s17 =	sand.u32 $0x3FF8, s22;
	v0 =	vadd.f32 v2, v0  }
0x20d: {  	v2 =	vld [tilespmem:s17+$0x1C300]  }
0x20e: {  	v0 =	vadd.f32 v3, v0  }
0x20f: {  	v3 =	vld [tilespmem:s21+$0x30]  }
0x210: {  	v0 =	vadd.f32 v1, v0  }
0x211: {  	v1 =	vld [tilespmem:s21+$0x40]  }
0x212: {  	v0 =	vadd.f32 v2, v0  }
0x213: {  	v2 =	vld [tilespmem:s21+$0x50]  }
0x214: {  	v0 =	vadd.f32 v3, v0;
	v3 =	vld [tilespmem:s21+$0x60];
	_ =	sdelay $0x1  }
0x215: {  	v0 =	vadd.f32 v1, v0;
	_ =	sdelay $0x1  }
0x216: {  	v0 =	vadd.f32 v2, v0  }
0x217: {  	v1 =	vnsel vm0, $0x0, v3  }
0x218: {  	v0 =	vadd.f32 v1, v0;
	_ =	sdelay $0x1  }
0x219: {  	(xrf2) =	vadd.scan.msk.f32 $0xffff, v0;
	_ =	sdelay $0x9  }
0x21a: {  	s13 =	simm.s32 $0x1F640;
	v0, _, _ =	vpop (xrf2)  }
0x21b: {  	s17 =	simm.s32 $0x1C3A8;
	[tilespmem:s13+$0x0] =	vst.msk vm1, v0  }
0x21c: {  	v0 =	vld [tilespmem:s17+$0xFFFFFFB0]  }
0x21d: {  	s18 =	simm.s32 $0xC8;
	s21 =	simm.s32 $0x190;
	v1 =	vld [tilespmem:s17+$0xFFFFFFA0]  }
.LBB2_12:
0x21e: {  	p0 =	sne.s32 s21, $0x3138  }
0x21f: {  	v2 =	vld [tilespmem:s17+$0xFFFFFFC0];
	_ =	sdelay $0x1  }
0x220: {  	v3 =	vld [tilespmem:s17+$0xFFFFFFD0]  }
0x221: {  	v0 =	vadd.f32 v0, v1  }
0x222: {  	v1 =	vld [tilespmem:s17+$0xFFFFFFE0]  }
0x223: {  	v0 =	vadd.f32 v2, v0  }
0x224: {  	v2 =	vld [tilespmem:s17+$0xFFFFFFF0]  }
0x225: {  	v0 =	vadd.f32 v3, v0  }
0x226: {  	v3 =	vld [tilespmem:s17+$0x0]  }
0x227: {  	v0 =	vadd.f32 v1, v0  }
0x228: {  	v1 =	vld [tilespmem:s17+$0x10]  }
0x229: {  	s22 =	sand.u32 $0x3FF8, s18;
	s18 =	smov.u32 s21;
	v0 =	vadd.f32 v2, v0  }
0x22a: {  	v2 =	vld [tilespmem:s22+$0x1C300]  }
0x22b: {  	v0 =	vadd.f32 v3, v0  }
0x22c: {  	v3 =	vld [tilespmem:s17+$0x30]  }
0x22d: {  	v0 =	vadd.f32 v1, v0  }
0x22e: {  	v1 =	vld [tilespmem:s17+$0x40]  }
0x22f: {  	v0 =	vadd.f32 v2, v0  }
0x230: {  	v2 =	vld [tilespmem:s17+$0x50]  }
0x231: {  	v0 =	vadd.f32 v3, v0;
	v3 =	vld [tilespmem:s17+$0x60];
	_ =	sdelay $0x1  }
0x232: {  	v0 =	vadd.f32 v1, v0;
	_ =	sdelay $0x1  }
0x233: {  	v0 =	vadd.f32 v2, v0  }
0x234: {  	v1 =	vnsel vm0, $0x0, v3  }
0x235: {  	v0 =	vadd.f32 v1, v0;
	_ =	sdelay $0x1  }
0x236: {  	(xrf2) =	vadd.scan.msk.f32 $0xffff, v0;
	_ =	sdelay $0x8  }
.Ltmp5:
0x237: {  	(pc) =	sbr.rel @p0 .LBB2_12-.Ltmp5, $4  }
0x238: {  	s13 =	sadd.s32 $0x1, s13;
	v0, _, _ =	vpop (xrf2)  }
0x239: {  	s17 =	sadd.s32 $0xC8, s17;
	[tilespmem:s13+$0x0] =	vst.msk vm1, v0  }
0x23a: {  	v0 =	vld [tilespmem:s17+$0xFFFFFFB0]  }
0x23b: {  	s21 =	sadd.s32 $0xC8, s21;
	v1 =	vld [tilespmem:s17+$0xFFFFFFA0]  }
0x23c: {  	_ = 	snop  }
0x23d: {  	v2 =	vld [tilespmem:s17+$0xFFFFFFC0];
	_ =	sdelay $0x1  }
0x23e: {  	v3 =	vld [tilespmem:s17+$0xFFFFFFD0]  }
0x23f: {  	v0 =	vadd.f32 v0, v1  }
0x240: {  	v1 =	vld [tilespmem:s17+$0xFFFFFFE0]  }
0x241: {  	v0 =	vadd.f32 v2, v0  }
0x242: {  	v2 =	vld [tilespmem:s17+$0xFFFFFFF0]  }
0x243: {  	v0 =	vadd.f32 v3, v0  }
0x244: {  	v3 =	vld [tilespmem:s17+$0x0]  }
0x245: {  	v0 =	vadd.f32 v1, v0  }
0x246: {  	v1 =	vld [tilespmem:s17+$0x10]  }
0x247: {  	s18 =	sand.u32 $0x3FF8, s18;
	v0 =	vadd.f32 v2, v0  }
0x248: {  	v2 =	vld [tilespmem:s18+$0x1C300]  }
0x249: {  	v0 =	vadd.f32 v3, v0  }
0x24a: {  	v3 =	vld [tilespmem:s17+$0x30]  }
0x24b: {  	v0 =	vadd.f32 v1, v0  }
0x24c: {  	v1 =	vld [tilespmem:s17+$0x40]  }
0x24d: {  	v0 =	vadd.f32 v2, v0  }
0x24e: {  	v2 =	vld [tilespmem:s17+$0x50]  }
0x24f: {  	v0 =	vadd.f32 v3, v0;
	v3 =	vld [tilespmem:s17+$0x60];
	_ =	sdelay $0x1  }
0x250: {  	v0 =	vadd.f32 v1, v0;
	_ =	sdelay $0x1  }
0x251: {  	v0 =	vadd.f32 v2, v0  }
0x252: {  	v1 =	vnsel vm0, $0x0, v3  }
0x253: {  	v0 =	vadd.f32 v1, v0;
	_ =	sdelay $0x1  }
0x254: {  	(xrf2) =	vadd.scan.msk.f32 $0xffff, v0;
	_ =	sdelay $0x9  }
0x255: {  	s13 =	sadd.s32 $0x1, s13;
	v0, _, _ =	vpop (xrf2)  }
0x256: {  	[tilespmem:s13+$0x0] =	vst.msk vm1, v0  }
0x257: {  	[tilespmem:s12], [sflag:$0x3] =	stream.indirect.gather [hbm4b:s3+s8], $0x1, s30, s8, $0xb8;
	[tilespmem:$0x1F780] =	vst v63  }
0x258: {  	_ = 	snop  }
0x259: {  	[tilespmem:s14], [sflag:$0x5] =	stream.indirect.gather [hbm4b:s3+s8], $0x1, s31, s8, $0xb8;
	[tilespmem:$0x1F780] =	vst v63  }
0x25a: {  	_ =	swait.ge [sflag:s15], $0x1900  }
0x25b: {  	[sflag:s15] =	ssyncset.done $0x0  }
0x25c: {  	[sflag:s15] =	ssyncadd.s32 $0xFFFFE700  }
0x25d: {  	_ =	swait.ge [sflag:s16], $0x1900  }
0x25e: {  	[sflag:s16] =	ssyncset.done $0x0  }
0x25f: {  	s21 =	simm.s32 $0x19060;
	[sflag:s16] =	ssyncadd.s32 $0xFFFFE700  }
0x260: {  	v0 =	vld [tilespmem:s21+$0xFFFFFFB0]  }
0x261: {  	v1 =	vld [tilespmem:s21+$0xFFFFFFA0];
	_ =	sdelay $0x1  }
0x262: {  	v2 =	vld [tilespmem:s21+$0xFFFFFFC0];
	_ =	sdelay $0x1  }
0x263: {  	v3 =	vld [tilespmem:s21+$0xFFFFFFD0]  }
0x264: {  	v0 =	vadd.f32 v0, v1  }
0x265: {  	v1 =	vld [tilespmem:s21+$0xFFFFFFE0]  }
0x266: {  	v0 =	vadd.f32 v2, v0  }
0x267: {  	v2 =	vld [tilespmem:s21+$0xFFFFFFF0]  }
0x268: {  	v0 =	vadd.f32 v3, v0  }
0x269: {  	v3 =	vld [tilespmem:s21+$0x0]  }
0x26a: {  	v0 =	vadd.f32 v1, v0  }
0x26b: {  	s22 =	simm.s32 $0x0;
	v1 =	vld [tilespmem:s21+$0x10]  }
0x26c: {  	s17 =	sand.u32 $0x3FF8, s22;
	v0 =	vadd.f32 v2, v0  }
0x26d: {  	v2 =	vld [tilespmem:s17+$0x19080]  }
0x26e: {  	v0 =	vadd.f32 v3, v0  }
0x26f: {  	v3 =	vld [tilespmem:s21+$0x30]  }
0x270: {  	v0 =	vadd.f32 v1, v0  }
0x271: {  	v1 =	vld [tilespmem:s21+$0x40]  }
0x272: {  	v0 =	vadd.f32 v2, v0  }
0x273: {  	v2 =	vld [tilespmem:s21+$0x50]  }
0x274: {  	v0 =	vadd.f32 v3, v0;
	v3 =	vld [tilespmem:s21+$0x60];
	_ =	sdelay $0x1  }
0x275: {  	v0 =	vadd.f32 v1, v0;
	_ =	sdelay $0x1  }
0x276: {  	v0 =	vadd.f32 v2, v0  }
0x277: {  	v1 =	vnsel vm0, $0x0, v3  }
0x278: {  	v0 =	vadd.f32 v1, v0;
	_ =	sdelay $0x1  }
0x279: {  	(xrf2) =	vadd.scan.msk.f32 $0xffff, v0;
	_ =	sdelay $0x9  }
0x27a: {  	s13 =	simm.s32 $0x1F680;
	v0, _, _ =	vpop (xrf2)  }
0x27b: {  	s17 =	simm.s32 $0x19128;
	[tilespmem:s13+$0x0] =	vst.msk vm1, v0  }
0x27c: {  	v0 =	vld [tilespmem:s17+$0xFFFFFFB0]  }
0x27d: {  	s18 =	simm.s32 $0xC8;
	s21 =	simm.s32 $0x190;
	v1 =	vld [tilespmem:s17+$0xFFFFFFA0]  }
.LBB2_14:
0x27e: {  	p0 =	sne.s32 s21, $0x3138  }
0x27f: {  	v2 =	vld [tilespmem:s17+$0xFFFFFFC0];
	_ =	sdelay $0x1  }
0x280: {  	v3 =	vld [tilespmem:s17+$0xFFFFFFD0]  }
0x281: {  	v0 =	vadd.f32 v0, v1  }
0x282: {  	v1 =	vld [tilespmem:s17+$0xFFFFFFE0]  }
0x283: {  	v0 =	vadd.f32 v2, v0  }
0x284: {  	v2 =	vld [tilespmem:s17+$0xFFFFFFF0]  }
0x285: {  	v0 =	vadd.f32 v3, v0  }
0x286: {  	v3 =	vld [tilespmem:s17+$0x0]  }
0x287: {  	v0 =	vadd.f32 v1, v0  }
0x288: {  	v1 =	vld [tilespmem:s17+$0x10]  }
0x289: {  	s22 =	sand.u32 $0x3FF8, s18;
	s18 =	smov.u32 s21;
	v0 =	vadd.f32 v2, v0  }
0x28a: {  	v2 =	vld [tilespmem:s22+$0x19080]  }
0x28b: {  	v0 =	vadd.f32 v3, v0  }
0x28c: {  	v3 =	vld [tilespmem:s17+$0x30]  }
0x28d: {  	v0 =	vadd.f32 v1, v0  }
0x28e: {  	v1 =	vld [tilespmem:s17+$0x40]  }
0x28f: {  	v0 =	vadd.f32 v2, v0  }
0x290: {  	v2 =	vld [tilespmem:s17+$0x50]  }
0x291: {  	v0 =	vadd.f32 v3, v0;
	v3 =	vld [tilespmem:s17+$0x60];
	_ =	sdelay $0x1  }
0x292: {  	v0 =	vadd.f32 v1, v0;
	_ =	sdelay $0x1  }
0x293: {  	v0 =	vadd.f32 v2, v0  }
0x294: {  	v1 =	vnsel vm0, $0x0, v3  }
0x295: {  	v0 =	vadd.f32 v1, v0;
	_ =	sdelay $0x1  }
0x296: {  	(xrf2) =	vadd.scan.msk.f32 $0xffff, v0;
	_ =	sdelay $0x8  }
.Ltmp6:
0x297: {  	(pc) =	sbr.rel @p0 .LBB2_14-.Ltmp6, $4  }
0x298: {  	s13 =	sadd.s32 $0x1, s13;
	v0, _, _ =	vpop (xrf2)  }
0x299: {  	s17 =	sadd.s32 $0xC8, s17;
	[tilespmem:s13+$0x0] =	vst.msk vm1, v0  }
0x29a: {  	v0 =	vld [tilespmem:s17+$0xFFFFFFB0]  }
0x29b: {  	s21 =	sadd.s32 $0xC8, s21;
	v1 =	vld [tilespmem:s17+$0xFFFFFFA0]  }
0x29c: {  	_ = 	snop  }
0x29d: {  	v2 =	vld [tilespmem:s17+$0xFFFFFFC0];
	_ =	sdelay $0x1  }
0x29e: {  	v3 =	vld [tilespmem:s17+$0xFFFFFFD0]  }
0x29f: {  	v0 =	vadd.f32 v0, v1  }
0x2a0: {  	v1 =	vld [tilespmem:s17+$0xFFFFFFE0]  }
0x2a1: {  	v0 =	vadd.f32 v2, v0  }
0x2a2: {  	v2 =	vld [tilespmem:s17+$0xFFFFFFF0]  }
0x2a3: {  	v0 =	vadd.f32 v3, v0  }
0x2a4: {  	v3 =	vld [tilespmem:s17+$0x0]  }
0x2a5: {  	v0 =	vadd.f32 v1, v0  }
0x2a6: {  	v1 =	vld [tilespmem:s17+$0x10]  }
0x2a7: {  	s18 =	sand.u32 $0x3FF8, s18;
	v0 =	vadd.f32 v2, v0  }
0x2a8: {  	v2 =	vld [tilespmem:s18+$0x19080]  }
0x2a9: {  	v0 =	vadd.f32 v3, v0  }
0x2aa: {  	v3 =	vld [tilespmem:s17+$0x30]  }
0x2ab: {  	v0 =	vadd.f32 v1, v0  }
0x2ac: {  	v1 =	vld [tilespmem:s17+$0x40]  }
0x2ad: {  	v0 =	vadd.f32 v2, v0  }
0x2ae: {  	v2 =	vld [tilespmem:s17+$0x50]  }
0x2af: {  	v0 =	vadd.f32 v3, v0;
	v3 =	vld [tilespmem:s17+$0x60];
	_ =	sdelay $0x1  }
0x2b0: {  	v0 =	vadd.f32 v1, v0;
	_ =	sdelay $0x1  }
0x2b1: {  	v0 =	vadd.f32 v2, v0  }
0x2b2: {  	v1 =	vnsel vm0, $0x0, v3  }
0x2b3: {  	v0 =	vadd.f32 v1, v0;
	_ =	sdelay $0x1  }
0x2b4: {  	(xrf2) =	vadd.scan.msk.f32 $0xffff, v0;
	_ =	sdelay $0x9  }
0x2b5: {  	s13 =	sadd.s32 $0x1, s13;
	v0, _, _ =	vpop (xrf2)  }
0x2b6: {  	[tilespmem:s13+$0x0] =	vst.msk vm1, v0  }
0x2b7: {  	_ =	swait.ge [sflag:s19], $0x1900  }
0x2b8: {  	[sflag:s19] =	ssyncset.done $0x0  }
0x2b9: {  	[sflag:s19] =	ssyncadd.s32 $0xFFFFE700  }
0x2ba: {  	_ =	swait.ge [sflag:s20], $0x1900  }
0x2bb: {  	[sflag:s20] =	ssyncset.done $0x0  }
0x2bc: {  	s21 =	simm.s32 $0x1C2E0;
	[sflag:s20] =	ssyncadd.s32 $0xFFFFE700  }
0x2bd: {  	v0 =	vld [tilespmem:s21+$0xFFFFFFB0]  }
0x2be: {  	v1 =	vld [tilespmem:s21+$0xFFFFFFA0];
	_ =	sdelay $0x1  }
0x2bf: {  	v2 =	vld [tilespmem:s21+$0xFFFFFFC0];
	_ =	sdelay $0x1  }
0x2c0: {  	v3 =	vld [tilespmem:s21+$0xFFFFFFD0]  }
0x2c1: {  	v0 =	vadd.f32 v0, v1  }
0x2c2: {  	v1 =	vld [tilespmem:s21+$0xFFFFFFE0]  }
0x2c3: {  	v0 =	vadd.f32 v2, v0  }
0x2c4: {  	v2 =	vld [tilespmem:s21+$0xFFFFFFF0]  }
0x2c5: {  	v0 =	vadd.f32 v3, v0  }
0x2c6: {  	v3 =	vld [tilespmem:s21+$0x0]  }
0x2c7: {  	v0 =	vadd.f32 v1, v0  }
0x2c8: {  	s22 =	simm.s32 $0x0;
	v1 =	vld [tilespmem:s21+$0x10]  }
0x2c9: {  	s17 =	sand.u32 $0x3FF8, s22;
	v0 =	vadd.f32 v2, v0  }
0x2ca: {  	v2 =	vld [tilespmem:s17+$0x1C300]  }
0x2cb: {  	v0 =	vadd.f32 v3, v0  }
0x2cc: {  	v3 =	vld [tilespmem:s21+$0x30]  }
0x2cd: {  	v0 =	vadd.f32 v1, v0  }
0x2ce: {  	v1 =	vld [tilespmem:s21+$0x40]  }
0x2cf: {  	v0 =	vadd.f32 v2, v0  }
0x2d0: {  	v2 =	vld [tilespmem:s21+$0x50]  }
0x2d1: {  	v0 =	vadd.f32 v3, v0;
	v3 =	vld [tilespmem:s21+$0x60];
	_ =	sdelay $0x1  }
0x2d2: {  	v0 =	vadd.f32 v1, v0;
	_ =	sdelay $0x1  }
0x2d3: {  	v0 =	vadd.f32 v2, v0  }
0x2d4: {  	v1 =	vnsel vm0, $0x0, v3  }
0x2d5: {  	v0 =	vadd.f32 v1, v0;
	_ =	sdelay $0x1  }
0x2d6: {  	(xrf2) =	vadd.scan.msk.f32 $0xffff, v0;
	_ =	sdelay $0x9  }
0x2d7: {  	s13 =	simm.s32 $0x1F6C0;
	v0, _, _ =	vpop (xrf2)  }
0x2d8: {  	s17 =	simm.s32 $0x1C3A8;
	[tilespmem:s13+$0x0] =	vst.msk vm1, v0  }
0x2d9: {  	v0 =	vld [tilespmem:s17+$0xFFFFFFB0]  }
0x2da: {  	s18 =	simm.s32 $0xC8;
	s21 =	simm.s32 $0x190;
	v1 =	vld [tilespmem:s17+$0xFFFFFFA0]  }
.LBB2_16:
0x2db: {  	p0 =	sne.s32 s21, $0x3138  }
0x2dc: {  	v2 =	vld [tilespmem:s17+$0xFFFFFFC0];
	_ =	sdelay $0x1  }
0x2dd: {  	v3 =	vld [tilespmem:s17+$0xFFFFFFD0]  }
0x2de: {  	v0 =	vadd.f32 v0, v1  }
0x2df: {  	v1 =	vld [tilespmem:s17+$0xFFFFFFE0]  }
0x2e0: {  	v0 =	vadd.f32 v2, v0  }
0x2e1: {  	v2 =	vld [tilespmem:s17+$0xFFFFFFF0]  }
0x2e2: {  	v0 =	vadd.f32 v3, v0  }
0x2e3: {  	v3 =	vld [tilespmem:s17+$0x0]  }
0x2e4: {  	v0 =	vadd.f32 v1, v0  }
0x2e5: {  	v1 =	vld [tilespmem:s17+$0x10]  }
0x2e6: {  	s22 =	sand.u32 $0x3FF8, s18;
	s18 =	smov.u32 s21;
	v0 =	vadd.f32 v2, v0  }
0x2e7: {  	v2 =	vld [tilespmem:s22+$0x1C300]  }
0x2e8: {  	v0 =	vadd.f32 v3, v0  }
0x2e9: {  	v3 =	vld [tilespmem:s17+$0x30]  }
0x2ea: {  	v0 =	vadd.f32 v1, v0  }
0x2eb: {  	v1 =	vld [tilespmem:s17+$0x40]  }
0x2ec: {  	v0 =	vadd.f32 v2, v0  }
0x2ed: {  	v2 =	vld [tilespmem:s17+$0x50]  }
0x2ee: {  	v0 =	vadd.f32 v3, v0;
	v3 =	vld [tilespmem:s17+$0x60];
	_ =	sdelay $0x1  }
0x2ef: {  	v0 =	vadd.f32 v1, v0;
	_ =	sdelay $0x1  }
0x2f0: {  	v0 =	vadd.f32 v2, v0  }
0x2f1: {  	v1 =	vnsel vm0, $0x0, v3  }
0x2f2: {  	v0 =	vadd.f32 v1, v0;
	_ =	sdelay $0x1  }
0x2f3: {  	(xrf2) =	vadd.scan.msk.f32 $0xffff, v0;
	_ =	sdelay $0x8  }
.Ltmp7:
0x2f4: {  	(pc) =	sbr.rel @p0 .LBB2_16-.Ltmp7, $4  }
0x2f5: {  	s13 =	sadd.s32 $0x1, s13;
	v0, _, _ =	vpop (xrf2)  }
0x2f6: {  	s17 =	sadd.s32 $0xC8, s17;
	[tilespmem:s13+$0x0] =	vst.msk vm1, v0  }
0x2f7: {  	v0 =	vld [tilespmem:s17+$0xFFFFFFB0]  }
0x2f8: {  	s21 =	sadd.s32 $0xC8, s21;
	v1 =	vld [tilespmem:s17+$0xFFFFFFA0]  }
0x2f9: {  	_ = 	snop  }
0x2fa: {  	v2 =	vld [tilespmem:s17+$0xFFFFFFC0];
	_ =	sdelay $0x1  }
0x2fb: {  	v3 =	vld [tilespmem:s17+$0xFFFFFFD0]  }
0x2fc: {  	v0 =	vadd.f32 v0, v1  }
0x2fd: {  	v54 =	vld [tilespmem:s17+$0xFFFFFFE0]  }
0x2fe: {  	v0 =	vadd.f32 v2, v0  }
0x2ff: {  	v55 =	vld [tilespmem:s17+$0xFFFFFFF0]  }
0x300: {  	v0 =	vadd.f32 v3, v0  }
0x301: {  	v56 =	vld [tilespmem:s17+$0x0]  }
0x302: {  	v0 =	vadd.f32 v54, v0  }
0x303: {  	v57 =	vld [tilespmem:s17+$0x10]  }
0x304: {  	s18 =	sand.u32 $0x3FF8, s18;
	v0 =	vadd.f32 v55, v0  }
0x305: {  	v58 =	vld [tilespmem:s18+$0x1C300]  }
0x306: {  	v0 =	vadd.f32 v56, v0  }
0x307: {  	v59 =	vld [tilespmem:s17+$0x30]  }
0x308: {  	v0 =	vadd.f32 v57, v0  }
0x309: {  	v60 =	vld [tilespmem:s17+$0x40]  }
0x30a: {  	v0 =	vadd.f32 v58, v0  }
0x30b: {  	v61 =	vld [tilespmem:s17+$0x50]  }
0x30c: {  	v62 =	vld [tilespmem:s17+$0x60];
	v0 =	vadd.f32 v59, v0;
	_ =	sdelay $0x1  }
0x30d: {  	v0 =	vadd.f32 v60, v0;
	_ =	sdelay $0x1  }
0x30e: {  	v0 =	vadd.f32 v61, v0  }
0x30f: {  	v63 =	vnsel vm0, $0x0, v62  }
0x310: {  	v0 =	vadd.f32 v63, v0;
	_ =	sdelay $0x1  }
0x311: {  	(xrf2) =	vadd.scan.msk.f32 $0xffff, v0;
	_ =	sdelay $0x8  }
0x312: {  	s11 =	sadd.s32 $0x1, s11  }
0x313: {  	s13 =	sadd.s32 $0x1, s13;
	p0 =	sne.s32 s11, s6;
	v0, _, _ =	vpop (xrf2)  }
.Ltmp8:
0x314: {  	[tilespmem:s13+$0x0] =	vst.msk vm1, v0;
	(pc) =	sbr.rel @p0 .LBB2_1-.Ltmp8, $4  }
0x315: {  	[hbm4b:s5+s2] =	stream.linear.scatter [tilespmem:s1], [sflag:$0x6], $0x200, $0x38;
	[tilespmem:$0x1F780] =	vst v63  }
0x316: {  	_ =	swait.ge [sflag:s0], $0x200  }
0x317: {  	[sflag:s0] =	ssyncset.done $0x0  }
0x318: {  	[sflag:s0] =	ssyncadd.s32 $0xFFFFFE00  }
0x319: {  	_ =	sfence.sel $0x180000  }
0x31a: {  	[bflag:$0x0] =	sbarrier.arrive $0xFFFF  }
0x31b: {  	_ =	strace $0x90000047  }
0x31c: {  	s0 =	stileid.u32;
	[bflag:$0x2] =	sbarrier.arrive $0xFFFF  }
0x31d: {  	p0 =	sne.s32 s0, $0x0;
	s0 =	rddreg [dreg:$0x2]  }
0x31e: {  	s0 =	sadd.s32 @!p0 $0x100000, s0  }
0x31f: {  	[sflag:s0] =	ssyncadd.tile.s32 @!p0 $0x1;
	_ =	shalt  }
.Lfunc_end2:
_tile_overlayer_lowered:
.L_overlay_start_2:
0x320: {  	(tag) =	ssettag $0x2  }
0x321: {  	s0 =	rddreg [dreg:$0x0];
	s2 =	stileid.u32  }
0x322: {  	s1 =	rddreg [dreg:$0x1];
	p0 =	sne.s32 s2, $0x0  }
0x323: {  	s3 =	rddreg [dreg:$0x2];
	[bflag:$0x3] =	sbarrier.arrive $0xFFFF;
	s2 =	simm.s32 @!p0 $0x1C06  }
0x324: {  	[timem:s3], [sflag:s2] =	dma.local @!p0 [hbm:s0], s1  }
0x325: {  	s0 =	simm.s32 @!p0 $0x6  }
0x326: {  	_ =	swait.ge @!p0 [sflag:s0], s1  }
0x327: {  	s1 =	ssub.s32 @!p0 $0x0, s1;
	[sflag:s0] =	ssyncset.done @!p0 $0x0  }
0x328: {  	[sflag:s0] =	ssyncadd.s32 @!p0 s1  }
0x329: {  	[bflag:$0x3] =	sbarrier.arrive $0xFFFF  }
0x32a: {  	_ =	shalt  }

</sc_bundles>
